<compile_context>
chip_gen: v7x
topology: tpu7x:2x2x1
jax: 0.10.2.dev20260603
libtpu: 0.0.44.dev20260713+nightly
codegen_flags: <defaults>
</compile_context>

<pallas_src>
import functools

import jax
import jax.numpy as jnp
from jax import lax
from jax.experimental import pallas as pl
from jax.experimental.pallas import tpu as pltpu
from jax.experimental.pallas import tpu_sc as plsc

N = 10000
D = 128
E = 320000
NC = 2
NS = 16
NW = NC * NS
EPW = E // NW
C = 80
NCHUNK = EPW // C
NPT = N // NS
DW = 8
NBUF = 4
NIX = NBUF + 2
DEG_LAG = 12

_mesh = plsc.VectorSubcoreMesh(core_axis_name="c", subcore_axis_name="s")
_sc_params = pltpu.CompilerParams(use_tc_tiling_on_sc=False)


@functools.partial(
    pl.kernel,
    out_type=jax.ShapeDtypeStruct((NC, N, DW), jnp.float32),
    mesh=_mesh,
    scratch_types=[
        pltpu.VMEM((NCHUNK, C), jnp.int32),
        pltpu.VMEM((C, DW), jnp.float32),
        pltpu.VMEM((NPT + 1, DW), jnp.float32),
        pltpu.VMEM_SHARED((N, DW), jnp.float32),
        pltpu.SemaphoreType.DMA,
    ],
    compiler_params=_sc_params,
)
def _deg_kernel(ei_hbm, outp, idxv, onesv, zerov, deg_sh, sem):
    cid = lax.axis_index("c")
    sid = lax.axis_index("s")

    ones2x8 = jnp.ones((2, 8), jnp.float32)
    zeros2x8 = jnp.zeros((2, 8), jnp.float32)

    def fill_ones(i, carry):
        onesv[pl.ds(2 * i, 2)] = ones2x8
        return carry

    lax.fori_loop(0, C // 2, fill_ones, 0)

    def fill_zeros(i, carry):
        zerov[pl.ds(2 * i, 2)] = zeros2x8
        return carry

    lax.fori_loop(0, (NPT + 1) // 2, fill_zeros, 0)

    pltpu.sync_copy(zerov.at[pl.ds(0, NPT)], deg_sh.at[pl.ds(sid * NPT, NPT)])
    plsc.subcore_barrier()

    pltpu.sync_copy(ei_hbm.at[1, cid, sid], idxv)

    def chunk(j, carry):
        pltpu.async_copy(onesv, deg_sh.at[idxv.at[j]], sem, add=True)

        @pl.when(j >= DEG_LAG)
        def _():
            pltpu.make_async_copy(onesv, deg_sh.at[idxv.at[0]], sem).wait()

        return carry

    lax.fori_loop(0, NCHUNK, chunk, 0)
    for _ in range(DEG_LAG):
        pltpu.make_async_copy(onesv, deg_sh.at[idxv.at[0]], sem).wait()
    plsc.subcore_barrier()

    pltpu.sync_copy(deg_sh.at[pl.ds(sid * NPT, NPT)],
                    outp.at[cid, pl.ds(sid * NPT, NPT)])


def _matmul_body(x_ref, w_ref, h_ref):
    h_ref[...] = jnp.dot(x_ref[...], w_ref[...],
                         preferred_element_type=jnp.float32)


def _scale_body(h_ref, degp_ref, g_ref):
    s = degp_ref[0] + degp_ref[1]
    deg = jnp.sum(s, axis=1) * (1.0 / DW) + 1.0
    dinv = lax.rsqrt(deg)
    g_ref[...] = h_ref[...] * dinv[:, None]


@functools.partial(
    pl.kernel,
    out_type=jax.ShapeDtypeStruct((NC, N, D), jnp.float32),
    mesh=_mesh,
    scratch_types=[
        pltpu.VMEM((NIX, C), jnp.int32),
        pltpu.VMEM((NIX, C), jnp.int32),
        pltpu.VMEM((NBUF, C, D), jnp.float32),
        pltpu.VMEM_SHARED((N, D), jnp.float32),
        pltpu.SemaphoreType.DMA,
        pltpu.SemaphoreType.DMA,
        pltpu.SemaphoreType.DMA,
    ],
    compiler_params=_sc_params,
)
def _agg_kernel(ei_hbm, g_hbm, zeros_hbm, outp, srcv, dstv, rows,
                agg_sh, sem_g, sem_s, sem_i):
    cid = lax.axis_index("c")
    sid = lax.axis_index("s")

    @pl.when(cid == 0)
    def _():
        pltpu.sync_copy(g_hbm.at[pl.ds(sid * NPT, NPT)],
                        agg_sh.at[pl.ds(sid * NPT, NPT)])

    @pl.when(cid == 1)
    def _():
        pltpu.sync_copy(zeros_hbm, agg_sh.at[pl.ds(sid * NPT, NPT)])

    plsc.subcore_barrier()

    for k in range(NIX):
        pltpu.async_copy(ei_hbm.at[0, cid, sid].at[k], srcv.at[k], sem_i)
        pltpu.async_copy(ei_hbm.at[1, cid, sid].at[k], dstv.at[k], sem_i)
    for _ in range(2 * (NBUF - 1)):
        pltpu.make_async_copy(ei_hbm.at[0, cid, sid].at[0], srcv.at[0],
                              sem_i).wait()
    for b in range(NBUF - 1):
        pltpu.async_copy(g_hbm.at[srcv.at[b]], rows.at[b], sem_g)

    def chunk(j, carry):
        buf = rows.at[lax.rem(j, NBUF)]
        pltpu.make_async_copy(g_hbm.at[srcv.at[0]], buf, sem_g).wait()
        pltpu.async_copy(buf, agg_sh.at[dstv.at[lax.rem(j, NIX)]], sem_s,
                         add=True)

        @pl.when(j >= 1)
        def _():
            pltpu.make_async_copy(rows.at[0], agg_sh.at[dstv.at[0]],
                                  sem_s).wait()

        @pl.when(j + NBUF - 1 < NCHUNK)
        def _():
            nxt = j + NBUF - 1
            pltpu.make_async_copy(ei_hbm.at[0, cid, sid].at[0], srcv.at[0],
                                  sem_i).wait()
            pltpu.make_async_copy(ei_hbm.at[0, cid, sid].at[0], srcv.at[0],
                                  sem_i).wait()
            pltpu.async_copy(g_hbm.at[srcv.at[lax.rem(nxt, NIX)]],
                             rows.at[lax.rem(nxt, NBUF)], sem_g)

        @pl.when(jnp.logical_and(j >= 1, j + NIX - 1 < NCHUNK))
        def _():
            nix = j + NIX - 1
            slot = lax.rem(nix, NIX)
            pltpu.async_copy(ei_hbm.at[0, cid, sid].at[nix], srcv.at[slot],
                             sem_i)
            pltpu.async_copy(ei_hbm.at[1, cid, sid].at[nix], dstv.at[slot],
                             sem_i)

        return carry

    lax.fori_loop(0, NCHUNK, chunk, 0)
    pltpu.make_async_copy(rows.at[0], agg_sh.at[dstv.at[0]], sem_s).wait()
    plsc.subcore_barrier()

    pltpu.sync_copy(agg_sh.at[pl.ds(sid * NPT, NPT)],
                    outp.at[cid, pl.ds(sid * NPT, NPT)])


def _combine_body(degp_ref, p_ref, b_ref, out_ref):
    s = degp_ref[0] + degp_ref[1]
    deg = jnp.sum(s, axis=1) * (1.0 / DW) + 1.0
    dinv = lax.rsqrt(deg)
    acc = (p_ref[0] + p_ref[1]) * dinv[:, None] + b_ref[0][None, :]
    out_ref[...] = jnp.broadcast_to(acc[None], out_ref.shape)


BN = 2000


def kernel(x, edge_index, W, b):
    ei = edge_index.astype(jnp.int32).reshape(2, NC, NS, NCHUNK, C)

    degp = _deg_kernel(ei)

    h = pl.pallas_call(
        _matmul_body,
        grid=(N // BN,),
        in_specs=[
            pl.BlockSpec((BN, D), lambda i: (i, 0)),
            pl.BlockSpec((D, D), lambda i: (0, 0)),
        ],
        out_specs=pl.BlockSpec((BN, D), lambda i: (i, 0)),
        out_shape=jax.ShapeDtypeStruct((N, D), jnp.float32),
    )(x, W)

    g = pl.pallas_call(
        _scale_body,
        grid=(N // BN,),
        in_specs=[
            pl.BlockSpec((BN, D), lambda i: (i, 0)),
            pl.BlockSpec((NC, BN, DW), lambda i: (0, i, 0)),
        ],
        out_specs=pl.BlockSpec((BN, D), lambda i: (i, 0)),
        out_shape=jax.ShapeDtypeStruct((N, D), jnp.float32),
    )(h, degp)

    partials = _agg_kernel(ei, g, jnp.zeros((NPT, D), jnp.float32))

    out = pl.pallas_call(
        _combine_body,
        grid=(N // BN,),
        in_specs=[
            pl.BlockSpec((NC, BN, DW), lambda i: (0, i, 0)),
            pl.BlockSpec((NC, BN, D), lambda i: (0, i, 0)),
            pl.BlockSpec((1, D), lambda i: (0, 0)),
        ],
        out_specs=pl.BlockSpec((5, BN, D), lambda i: (0, i, 0)),
        out_shape=jax.ShapeDtypeStruct((5, N, D), jnp.float32),
    )(degp, partials, b.reshape(1, D))

    return out

# --- scband reference (transcript-rebuilt; emitter-appended) ---
"""Pipeline reference for scband-py-glayer-14319420965102 (READ-ONLY COPY).

The authoritative reference and input builder live on the scoring server;
editing this copy changes nothing except your own understanding.
"""

import jax, jax.numpy as jnp
import numpy as np

N_NODES = 10000
D_IN = 128
D_OUT = 128
N_EDGES = 320000

def setup_inputs(seed: int = 0) -> dict:
    key = jax.random.key(seed)
    k1, k2, k3, k4 = jax.random.split(key, 4)
    x = jax.random.normal(k1, (N_NODES, D_IN), dtype=jnp.float32)
    edge_index = jax.random.randint(k2, (2, N_EDGES), 0, N_NODES, dtype=jnp.int64)
    # GCNConv learned params: weight [D_IN, D_OUT] (glorot), bias [D_OUT] (zeros in PyG default)
    W = jax.random.normal(k3, (D_IN, D_OUT), dtype=jnp.float32) * (1.0 / np.sqrt(D_IN))
    b = jnp.zeros((D_OUT,), dtype=jnp.float32)
    return {"x": x, "edge_index": edge_index, "W": W, "b": b}

def _gcn_conv(x, edge_index, W, b):
    # Faithful PyG GCNConv: add self-loops, symmetric normalization, linear, scatter-add aggregate, bias
    N = x.shape[0]
    loop = jnp.arange(N, dtype=edge_index.dtype)
    src = jnp.concatenate([edge_index[0], loop])
    dst = jnp.concatenate([edge_index[1], loop])
    deg = jnp.zeros((N,), dtype=x.dtype).at[dst].add(1.0)
    deg_inv_sqrt = jnp.where(deg > 0, deg ** -0.5, 0.0)
    norm = deg_inv_sqrt[src] * deg_inv_sqrt[dst]
    h = x @ W
    msg = h[src] * norm[:, None]
    out = jnp.zeros((N, W.shape[1]), dtype=x.dtype).at[dst].add(msg)
    return out + b

def reference(x, edge_index, W, b):
    # PyGLayer.forward runs the wrapped layer 5 times under no_grad and stores outputs in self.y.
    # All 5 passes are identical; we return the stacked outputs to mirror the 5 stored results.
    outs = [_gcn_conv(x, edge_index, W, b) for _ in range(5)]
    return jnp.stack(outs, axis=0)

if __name__ == "__main__":
    import jax
    _d = setup_inputs()
    print(jax.jit(kernel)(*tuple(_d.values())))

</pallas_src>

<mosaic_0001>
#map = affine_map<(d0, d1) -> (0, 0, 0, 0, 0)>
#map1 = affine_map<(d0, d1) -> (0, 0)>
#map2 = affine_map<(d0, d1) -> (0, 0, 0)>
module attributes {stable_mosaic.version = 14 : i64} {
  func.func @_agg_kernel(%arg0: i32, %arg1: i32, %arg2: memref<2x2x16x125x80xi32, #tpu.memory_space<hbm>>, %arg3: memref<10000x128xf32, #tpu.memory_space<hbm>>, %arg4: memref<625x128xf32, #tpu.memory_space<hbm>>, %arg5: memref<2x10000x128xf32, #tpu.memory_space<hbm>>, %arg6: memref<6x80xi32, #tpu.memory_space<vmem>>, %arg7: memref<6x80xi32, #tpu.memory_space<vmem>>, %arg8: memref<4x80x128xf32, #tpu.memory_space<vmem>>, %arg9: memref<10000x128xf32, #tpu.memory_space<vmem_shared>>, %arg10: memref<!tpu.dma_semaphore, #tpu.memory_space<semaphore_mem>>, %arg11: memref<!tpu.dma_semaphore, #tpu.memory_space<semaphore_mem>>, %arg12: memref<!tpu.dma_semaphore, #tpu.memory_space<semaphore_mem>>) attributes {dimension_semantics = [#tpu.dimension_semantics<core_parallel>, #tpu.dimension_semantics<subcore_parallel>], iteration_bounds = array<i64: 2, 16>, scalar_prefetch = 0 : i64, scratch_operands = 7 : i64, tpu.core_type = #tpu.core_type<sc_vector_subcore>, window_params = [{transform_indices = #map}, {transform_indices = #map1}, {transform_indices = #map1}, {transform_indices = #map2}]} {
    %eq3A = arith.constant 0 : i32
    %eq3A_0 = arith.cmpi eq, %arg0, %eq3A : i32
    %convert_element_type3A = arith.extui %eq3A_0 : i1 to i32
    %cond3A = arith.constant 0 : i32
    %cond3A_1 = arith.cmpi ne, %convert_element_type3A, %cond3A : i32
    scf.if %cond3A_1 {
      %mul3A_476 = arith.constant 625 : i32
      %mul3A_477 = arith.muli %arg1, %mul3A_476 : i32
      %mul3A_478 = arith.constant 625 : i32
      %mul3A_479 = arith.muli %arg1, %mul3A_478 : i32
      "tpu.region"() ({
        %run_scoped3A = tpu.sem_alloc : memref<!tpu.dma_semaphore, #tpu.memory_space<semaphore_mem>>
        %dma_start3A_480 = arith.constant 0 : i32
        %dma_start3A_481 = tpu.memref_slice %arg9[%mul3A_479, %dma_start3A_480] : memref<10000x128xf32, #tpu.memory_space<vmem_shared>> -> memref<625x128xf32, #tpu.memory_space<vmem_shared>>
        %dma_start3A_482 = arith.constant 0 : i32
        %dma_start3A_483 = tpu.memref_slice %arg3[%mul3A_477, %dma_start3A_482] : memref<10000x128xf32, #tpu.memory_space<hbm>> -> memref<625x128xf32, #tpu.memory_space<hbm>>
        tpu.enqueue_dma source(%dma_start3A_483 : memref<625x128xf32, #tpu.memory_space<hbm>>) target(%dma_start3A_481 : memref<625x128xf32, #tpu.memory_space<vmem_shared>>) target_semaphore(%run_scoped3A : memref<!tpu.dma_semaphore, #tpu.memory_space<semaphore_mem>>)
        %dma_wait3A_484 = arith.constant 0 : i32
        %dma_wait3A_485 = tpu.memref_slice %arg9[%mul3A_479, %dma_wait3A_484] : memref<10000x128xf32, #tpu.memory_space<vmem_shared>> -> memref<625x128xf32, #tpu.memory_space<vmem_shared>>
        %dma_wait3A_486 = arith.constant 0 : i32
        %dma_wait3A_487 = tpu.memref_slice %arg3[%mul3A_477, %dma_wait3A_486] : memref<10000x128xf32, #tpu.memory_space<hbm>> -> memref<625x128xf32, #tpu.memory_space<hbm>>
        tpu.wait_dma2 semaphore(%run_scoped3A : memref<!tpu.dma_semaphore, #tpu.memory_space<semaphore_mem>>) src(%dma_wait3A_487 : memref<625x128xf32, #tpu.memory_space<hbm>>) dst(%dma_wait3A_485 : memref<625x128xf32, #tpu.memory_space<vmem_shared>>)
        tpu.yield
      }) : () -> ()
    } else {
    }
    %eq3A_2 = arith.constant 1 : i32
    %eq3A_3 = arith.cmpi eq, %arg0, %eq3A_2 : i32
    %convert_element_type3A_4 = arith.extui %eq3A_3 : i1 to i32
    %cond3A_5 = arith.constant 0 : i32
    %cond3A_6 = arith.cmpi ne, %convert_element_type3A_4, %cond3A_5 : i32
    scf.if %cond3A_6 {
      %mul3A_476 = arith.constant 625 : i32
      %mul3A_477 = arith.muli %arg1, %mul3A_476 : i32
      "tpu.region"() ({
        %run_scoped3A = tpu.sem_alloc : memref<!tpu.dma_semaphore, #tpu.memory_space<semaphore_mem>>
        %dma_start3A_478 = arith.constant 0 : i32
        %dma_start3A_479 = tpu.memref_slice %arg9[%mul3A_477, %dma_start3A_478] : memref<10000x128xf32, #tpu.memory_space<vmem_shared>> -> memref<625x128xf32, #tpu.memory_space<vmem_shared>>
        tpu.enqueue_dma source(%arg4 : memref<625x128xf32, #tpu.memory_space<hbm>>) target(%dma_start3A_479 : memref<625x128xf32, #tpu.memory_space<vmem_shared>>) target_semaphore(%run_scoped3A : memref<!tpu.dma_semaphore, #tpu.memory_space<semaphore_mem>>)
        %dma_wait3A_480 = arith.constant 0 : i32
        %dma_wait3A_481 = tpu.memref_slice %arg9[%mul3A_477, %dma_wait3A_480] : memref<10000x128xf32, #tpu.memory_space<vmem_shared>> -> memref<625x128xf32, #tpu.memory_space<vmem_shared>>
        tpu.wait_dma2 semaphore(%run_scoped3A : memref<!tpu.dma_semaphore, #tpu.memory_space<semaphore_mem>>) src(%arg4 : memref<625x128xf32, #tpu.memory_space<hbm>>) dst(%dma_wait3A_481 : memref<625x128xf32, #tpu.memory_space<vmem_shared>>)
        tpu.yield
      }) : () -> ()
    } else {
    }
    %barrier3A = arith.constant 0 : index
    tpu.barrier barrier_id(%barrier3A)
    %dma_start3A = arith.constant 0 : i32
    %dma_start3A_7 = arith.constant 0 : i32
    %dma_start3A_8 = arith.constant 0 : i32
    %dma_start3A_9 = arith.constant 0 : i32
    %dma_start3A_10 = tpu.memref_slice %arg6[%dma_start3A_8, %dma_start3A_9] : memref<6x80xi32, #tpu.memory_space<vmem>> -> memref<1x80xi32, #tpu.memory_space<vmem>>
    %dma_start3A_11 = tpu.memref_squeeze %dma_start3A_10 : memref<1x80xi32, #tpu.memory_space<vmem>> -> memref<80xi32, #tpu.memory_space<vmem>>
    %dma_start3A_12 = arith.constant 0 : i32
    %dma_start3A_13 = arith.constant 0 : i32
    %dma_start3A_14 = tpu.memref_slice %arg2[%dma_start3A, %arg0, %arg1, %dma_start3A_12, %dma_start3A_13] : memref<2x2x16x125x80xi32, #tpu.memory_space<hbm>> -> memref<1x1x1x125x80xi32, #tpu.memory_space<hbm>>
    %dma_start3A_15 = tpu.memref_squeeze %dma_start3A_14 : memref<1x1x1x125x80xi32, #tpu.memory_space<hbm>> -> memref<125x80xi32, #tpu.memory_space<hbm>>
    %dma_start3A_16 = arith.constant 0 : i32
    %dma_start3A_17 = tpu.memref_slice %dma_start3A_15[%dma_start3A_7, %dma_start3A_16] : memref<125x80xi32, #tpu.memory_space<hbm>> -> memref<1x80xi32, #tpu.memory_space<hbm>>
    %dma_start3A_18 = tpu.memref_squeeze %dma_start3A_17 : memref<1x80xi32, #tpu.memory_space<hbm>> -> memref<80xi32, #tpu.memory_space<hbm>>
    %dma_start3A_19 = arith.constant 0 : i32
    %dma_start3A_20 = tpu.memref_slice %arg6[%dma_start3A_8, %dma_start3A_19] : memref<6x80xi32, #tpu.memory_space<vmem>> -> memref<1x80xi32, #tpu.memory_space<vmem>>
    %dma_start3A_21 = tpu.memref_squeeze %dma_start3A_20 : memref<1x80xi32, #tpu.memory_space<vmem>> -> memref<80xi32, #tpu.memory_space<vmem>>
    %dma_start3A_22 = arith.constant 0 : i32
    %dma_start3A_23 = arith.constant 0 : i32
    %dma_start3A_24 = tpu.memref_slice %arg2[%dma_start3A, %arg0, %arg1, %dma_start3A_22, %dma_start3A_23] : memref<2x2x16x125x80xi32, #tpu.memory_space<hbm>> -> memref<1x1x1x125x80xi32, #tpu.memory_space<hbm>>
    %dma_start3A_25 = tpu.memref_squeeze %dma_start3A_24 : memref<1x1x1x125x80xi32, #tpu.memory_space<hbm>> -> memref<125x80xi32, #tpu.memory_space<hbm>>
    %dma_start3A_26 = arith.constant 0 : i32
    %dma_start3A_27 = tpu.memref_slice %dma_start3A_25[%dma_start3A_7, %dma_start3A_26] : memref<125x80xi32, #tpu.memory_space<hbm>> -> memref<1x80xi32, #tpu.memory_space<hbm>>
    %dma_start3A_28 = tpu.memref_squeeze %dma_start3A_27 : memref<1x80xi32, #tpu.memory_space<hbm>> -> memref<80xi32, #tpu.memory_space<hbm>>
    tpu.enqueue_dma source(%dma_start3A_28 : memref<80xi32, #tpu.memory_space<hbm>>) target(%dma_start3A_21 : memref<80xi32, #tpu.memory_space<vmem>>) target_semaphore(%arg12 : memref<!tpu.dma_semaphore, #tpu.memory_space<semaphore_mem>>)
    %dma_start3A_29 = arith.constant 1 : i32
    %dma_start3A_30 = arith.constant 0 : i32
    %dma_start3A_31 = arith.constant 0 : i32
    %dma_start3A_32 = arith.constant 0 : i32
    %dma_start3A_33 = tpu.memref_slice %arg7[%dma_start3A_31, %dma_start3A_32] : memref<6x80xi32, #tpu.memory_space<vmem>> -> memref<1x80xi32, #tpu.memory_space<vmem>>
    %dma_start3A_34 = tpu.memref_squeeze %dma_start3A_33 : memref<1x80xi32, #tpu.memory_space<vmem>> -> memref<80xi32, #tpu.memory_space<vmem>>
    %dma_start3A_35 = arith.constant 0 : i32
    %dma_start3A_36 = arith.constant 0 : i32
    %dma_start3A_37 = tpu.memref_slice %arg2[%dma_start3A_29, %arg0, %arg1, %dma_start3A_35, %dma_start3A_36] : memref<2x2x16x125x80xi32, #tpu.memory_space<hbm>> -> memref<1x1x1x125x80xi32, #tpu.memory_space<hbm>>
    %dma_start3A_38 = tpu.memref_squeeze %dma_start3A_37 : memref<1x1x1x125x80xi32, #tpu.memory_space<hbm>> -> memref<125x80xi32, #tpu.memory_space<hbm>>
    %dma_start3A_39 = arith.constant 0 : i32
    %dma_start3A_40 = tpu.memref_slice %dma_start3A_38[%dma_start3A_30, %dma_start3A_39] : memref<125x80xi32, #tpu.memory_space<hbm>> -> memref<1x80xi32, #tpu.memory_space<hbm>>
    %dma_start3A_41 = tpu.memref_squeeze %dma_start3A_40 : memref<1x80xi32, #tpu.memory_space<hbm>> -> memref<80xi32, #tpu.memory_space<hbm>>
    %dma_start3A_42 = arith.constant 0 : i32
    %dma_start3A_43 = tpu.memref_slice %arg7[%dma_start3A_31, %dma_start3A_42] : memref<6x80xi32, #tpu.memory_space<vmem>> -> memref<1x80xi32, #tpu.memory_space<vmem>>
    %dma_start3A_44 = tpu.memref_squeeze %dma_start3A_43 : memref<1x80xi32, #tpu.memory_space<vmem>> -> memref<80xi32, #tpu.memory_space<vmem>>
    %dma_start3A_45 = arith.constant 0 : i32
    %dma_start3A_46 = arith.constant 0 : i32
    %dma_start3A_47 = tpu.memref_slice %arg2[%dma_start3A_29, %arg0, %arg1, %dma_start3A_45, %dma_start3A_46] : memref<2x2x16x125x80xi32, #tpu.memory_space<hbm>> -> memref<1x1x1x125x80xi32, #tpu.memory_space<hbm>>
    %dma_start3A_48 = tpu.memref_squeeze %dma_start3A_47 : memref<1x1x1x125x80xi32, #tpu.memory_space<hbm>> -> memref<125x80xi32, #tpu.memory_space<hbm>>
    %dma_start3A_49 = arith.constant 0 : i32
    %dma_start3A_50 = tpu.memref_slice %dma_start3A_48[%dma_start3A_30, %dma_start3A_49] : memref<125x80xi32, #tpu.memory_space<hbm>> -> memref<1x80xi32, #tpu.memory_space<hbm>>
    %dma_start3A_51 = tpu.memref_squeeze %dma_start3A_50 : memref<1x80xi32, #tpu.memory_space<hbm>> -> memref<80xi32, #tpu.memory_space<hbm>>
    tpu.enqueue_dma source(%dma_start3A_51 : memref<80xi32, #tpu.memory_space<hbm>>) target(%dma_start3A_44 : memref<80xi32, #tpu.memory_space<vmem>>) target_semaphore(%arg12 : memref<!tpu.dma_semaphore, #tpu.memory_space<semaphore_mem>>)
    %dma_start3A_52 = arith.constant 0 : i32
    %dma_start3A_53 = arith.constant 1 : i32
    %dma_start3A_54 = arith.constant 1 : i32
    %dma_start3A_55 = arith.constant 0 : i32
    %dma_start3A_56 = tpu.memref_slice %arg6[%dma_start3A_54, %dma_start3A_55] : memref<6x80xi32, #tpu.memory_space<vmem>> -> memref<1x80xi32, #tpu.memory_space<vmem>>
    %dma_start3A_57 = tpu.memref_squeeze %dma_start3A_56 : memref<1x80xi32, #tpu.memory_space<vmem>> -> memref<80xi32, #tpu.memory_space<vmem>>
    %dma_start3A_58 = arith.constant 0 : i32
    %dma_start3A_59 = arith.constant 0 : i32
    %dma_start3A_60 = tpu.memref_slice %arg2[%dma_start3A_52, %arg0, %arg1, %dma_start3A_58, %dma_start3A_59] : memref<2x2x16x125x80xi32, #tpu.memory_space<hbm>> -> memref<1x1x1x125x80xi32, #tpu.memory_space<hbm>>
    %dma_start3A_61 = tpu.memref_squeeze %dma_start3A_60 : memref<1x1x1x125x80xi32, #tpu.memory_space<hbm>> -> memref<125x80xi32, #tpu.memory_space<hbm>>
    %dma_start3A_62 = arith.constant 0 : i32
    %dma_start3A_63 = tpu.memref_slice %dma_start3A_61[%dma_start3A_53, %dma_start3A_62] : memref<125x80xi32, #tpu.memory_space<hbm>> -> memref<1x80xi32, #tpu.memory_space<hbm>>
    %dma_start3A_64 = tpu.memref_squeeze %dma_start3A_63 : memref<1x80xi32, #tpu.memory_space<hbm>> -> memref<80xi32, #tpu.memory_space<hbm>>
    %dma_start3A_65 = arith.constant 0 : i32
    %dma_start3A_66 = tpu.memref_slice %arg6[%dma_start3A_54, %dma_start3A_65] : memref<6x80xi32, #tpu.memory_space<vmem>> -> memref<1x80xi32, #tpu.memory_space<vmem>>
    %dma_start3A_67 = tpu.memref_squeeze %dma_start3A_66 : memref<1x80xi32, #tpu.memory_space<vmem>> -> memref<80xi32, #tpu.memory_space<vmem>>
    %dma_start3A_68 = arith.constant 0 : i32
    %dma_start3A_69 = arith.constant 0 : i32
    %dma_start3A_70 = tpu.memref_slice %arg2[%dma_start3A_52, %arg0, %arg1, %dma_start3A_68, %dma_start3A_69] : memref<2x2x16x125x80xi32, #tpu.memory_space<hbm>> -> memref<1x1x1x125x80xi32, #tpu.memory_space<hbm>>
    %dma_start3A_71 = tpu.memref_squeeze %dma_start3A_70 : memref<1x1x1x125x80xi32, #tpu.memory_space<hbm>> -> memref<125x80xi32, #tpu.memory_space<hbm>>
    %dma_start3A_72 = arith.constant 0 : i32
    %dma_start3A_73 = tpu.memref_slice %dma_start3A_71[%dma_start3A_53, %dma_start3A_72] : memref<125x80xi32, #tpu.memory_space<hbm>> -> memref<1x80xi32, #tpu.memory_space<hbm>>
    %dma_start3A_74 = tpu.memref_squeeze %dma_start3A_73 : memref<1x80xi32, #tpu.memory_space<hbm>> -> memref<80xi32, #tpu.memory_space<hbm>>
    tpu.enqueue_dma source(%dma_start3A_74 : memref<80xi32, #tpu.memory_space<hbm>>) target(%dma_start3A_67 : memref<80xi32, #tpu.memory_space<vmem>>) target_semaphore(%arg12 : memref<!tpu.dma_semaphore, #tpu.memory_space<semaphore_mem>>)
    %dma_start3A_75 = arith.constant 1 : i32
    %dma_start3A_76 = arith.constant 1 : i32
    %dma_start3A_77 = arith.constant 1 : i32
    %dma_start3A_78 = arith.constant 0 : i32
    %dma_start3A_79 = tpu.memref_slice %arg7[%dma_start3A_77, %dma_start3A_78] : memref<6x80xi32, #tpu.memory_space<vmem>> -> memref<1x80xi32, #tpu.memory_space<vmem>>
    %dma_start3A_80 = tpu.memref_squeeze %dma_start3A_79 : memref<1x80xi32, #tpu.memory_space<vmem>> -> memref<80xi32, #tpu.memory_space<vmem>>
    %dma_start3A_81 = arith.constant 0 : i32
    %dma_start3A_82 = arith.constant 0 : i32
    %dma_start3A_83 = tpu.memref_slice %arg2[%dma_start3A_75, %arg0, %arg1, %dma_start3A_81, %dma_start3A_82] : memref<2x2x16x125x80xi32, #tpu.memory_space<hbm>> -> memref<1x1x1x125x80xi32, #tpu.memory_space<hbm>>
    %dma_start3A_84 = tpu.memref_squeeze %dma_start3A_83 : memref<1x1x1x125x80xi32, #tpu.memory_space<hbm>> -> memref<125x80xi32, #tpu.memory_space<hbm>>
    %dma_start3A_85 = arith.constant 0 : i32
    %dma_start3A_86 = tpu.memref_slice %dma_start3A_84[%dma_start3A_76, %dma_start3A_85] : memref<125x80xi32, #tpu.memory_space<hbm>> -> memref<1x80xi32, #tpu.memory_space<hbm>>
    %dma_start3A_87 = tpu.memref_squeeze %dma_start3A_86 : memref<1x80xi32, #tpu.memory_space<hbm>> -> memref<80xi32, #tpu.memory_space<hbm>>
    %dma_start3A_88 = arith.constant 0 : i32
    %dma_start3A_89 = tpu.memref_slice %arg7[%dma_start3A_77, %dma_start3A_88] : memref<6x80xi32, #tpu.memory_space<vmem>> -> memref<1x80xi32, #tpu.memory_space<vmem>>
    %dma_start3A_90 = tpu.memref_squeeze %dma_start3A_89 : memref<1x80xi32, #tpu.memory_space<vmem>> -> memref<80xi32, #tpu.memory_space<vmem>>
    %dma_start3A_91 = arith.constant 0 : i32
    %dma_start3A_92 = arith.constant 0 : i32
    %dma_start3A_93 = tpu.memref_slice %arg2[%dma_start3A_75, %arg0, %arg1, %dma_start3A_91, %dma_start3A_92] : memref<2x2x16x125x80xi32, #tpu.memory_space<hbm>> -> memref<1x1x1x125x80xi32, #tpu.memory_space<hbm>>
    %dma_start3A_94 = tpu.memref_squeeze %dma_start3A_93 : memref<1x1x1x125x80xi32, #tpu.memory_space<hbm>> -> memref<125x80xi32, #tpu.memory_space<hbm>>
    %dma_start3A_95 = arith.constant 0 : i32
    %dma_start3A_96 = tpu.memref_slice %dma_start3A_94[%dma_start3A_76, %dma_start3A_95] : memref<125x80xi32, #tpu.memory_space<hbm>> -> memref<1x80xi32, #tpu.memory_space<hbm>>
    %dma_start3A_97 = tpu.memref_squeeze %dma_start3A_96 : memref<1x80xi32, #tpu.memory_space<hbm>> -> memref<80xi32, #tpu.memory_space<hbm>>
    tpu.enqueue_dma source(%dma_start3A_97 : memref<80xi32, #tpu.memory_space<hbm>>) target(%dma_start3A_90 : memref<80xi32, #tpu.memory_space<vmem>>) target_semaphore(%arg12 : memref<!tpu.dma_semaphore, #tpu.memory_space<semaphore_mem>>)
    %dma_start3A_98 = arith.constant 0 : i32
    %dma_start3A_99 = arith.constant 2 : i32
    %dma_start3A_100 = arith.constant 2 : i32
    %dma_start3A_101 = arith.constant 0 : i32
    %dma_start3A_102 = tpu.memref_slice %arg6[%dma_start3A_100, %dma_start3A_101] : memref<6x80xi32, #tpu.memory_space<vmem>> -> memref<1x80xi32, #tpu.memory_space<vmem>>
    %dma_start3A_103 = tpu.memref_squeeze %dma_start3A_102 : memref<1x80xi32, #tpu.memory_space<vmem>> -> memref<80xi32, #tpu.memory_space<vmem>>
    %dma_start3A_104 = arith.constant 0 : i32
    %dma_start3A_105 = arith.constant 0 : i32
    %dma_start3A_106 = tpu.memref_slice %arg2[%dma_start3A_98, %arg0, %arg1, %dma_start3A_104, %dma_start3A_105] : memref<2x2x16x125x80xi32, #tpu.memory_space<hbm>> -> memref<1x1x1x125x80xi32, #tpu.memory_space<hbm>>
    %dma_start3A_107 = tpu.memref_squeeze %dma_start3A_106 : memref<1x1x1x125x80xi32, #tpu.memory_space<hbm>> -> memref<125x80xi32, #tpu.memory_space<hbm>>
    %dma_start3A_108 = arith.constant 0 : i32
    %dma_start3A_109 = tpu.memref_slice %dma_start3A_107[%dma_start3A_99, %dma_start3A_108] : memref<125x80xi32, #tpu.memory_space<hbm>> -> memref<1x80xi32, #tpu.memory_space<hbm>>
    %dma_start3A_110 = tpu.memref_squeeze %dma_start3A_109 : memref<1x80xi32, #tpu.memory_space<hbm>> -> memref<80xi32, #tpu.memory_space<hbm>>
    %dma_start3A_111 = arith.constant 0 : i32
    %dma_start3A_112 = tpu.memref_slice %arg6[%dma_start3A_100, %dma_start3A_111] : memref<6x80xi32, #tpu.memory_space<vmem>> -> memref<1x80xi32, #tpu.memory_space<vmem>>
    %dma_start3A_113 = tpu.memref_squeeze %dma_start3A_112 : memref<1x80xi32, #tpu.memory_space<vmem>> -> memref<80xi32, #tpu.memory_space<vmem>>
    %dma_start3A_114 = arith.constant 0 : i32
    %dma_start3A_115 = arith.constant 0 : i32
    %dma_start3A_116 = tpu.memref_slice %arg2[%dma_start3A_98, %arg0, %arg1, %dma_start3A_114, %dma_start3A_115] : memref<2x2x16x125x80xi32, #tpu.memory_space<hbm>> -> memref<1x1x1x125x80xi32, #tpu.memory_space<hbm>>
    %dma_start3A_117 = tpu.memref_squeeze %dma_start3A_116 : memref<1x1x1x125x80xi32, #tpu.memory_space<hbm>> -> memref<125x80xi32, #tpu.memory_space<hbm>>
    %dma_start3A_118 = arith.constant 0 : i32
    %dma_start3A_119 = tpu.memref_slice %dma_start3A_117[%dma_start3A_99, %dma_start3A_118] : memref<125x80xi32, #tpu.memory_space<hbm>> -> memref<1x80xi32, #tpu.memory_space<hbm>>
    %dma_start3A_120 = tpu.memref_squeeze %dma_start3A_119 : memref<1x80xi32, #tpu.memory_space<hbm>> -> memref<80xi32, #tpu.memory_space<hbm>>
    tpu.enqueue_dma source(%dma_start3A_120 : memref<80xi32, #tpu.memory_space<hbm>>) target(%dma_start3A_113 : memref<80xi32, #tpu.memory_space<vmem>>) target_semaphore(%arg12 : memref<!tpu.dma_semaphore, #tpu.memory_space<semaphore_mem>>)
    %dma_start3A_121 = arith.constant 1 : i32
    %dma_start3A_122 = arith.constant 2 : i32
    %dma_start3A_123 = arith.constant 2 : i32
    %dma_start3A_124 = arith.constant 0 : i32
    %dma_start3A_125 = tpu.memref_slice %arg7[%dma_start3A_123, %dma_start3A_124] : memref<6x80xi32, #tpu.memory_space<vmem>> -> memref<1x80xi32, #tpu.memory_space<vmem>>
    %dma_start3A_126 = tpu.memref_squeeze %dma_start3A_125 : memref<1x80xi32, #tpu.memory_space<vmem>> -> memref<80xi32, #tpu.memory_space<vmem>>
    %dma_start3A_127 = arith.constant 0 : i32
    %dma_start3A_128 = arith.constant 0 : i32
    %dma_start3A_129 = tpu.memref_slice %arg2[%dma_start3A_121, %arg0, %arg1, %dma_start3A_127, %dma_start3A_128] : memref<2x2x16x125x80xi32, #tpu.memory_space<hbm>> -> memref<1x1x1x125x80xi32, #tpu.memory_space<hbm>>
    %dma_start3A_130 = tpu.memref_squeeze %dma_start3A_129 : memref<1x1x1x125x80xi32, #tpu.memory_space<hbm>> -> memref<125x80xi32, #tpu.memory_space<hbm>>
    %dma_start3A_131 = arith.constant 0 : i32
    %dma_start3A_132 = tpu.memref_slice %dma_start3A_130[%dma_start3A_122, %dma_start3A_131] : memref<125x80xi32, #tpu.memory_space<hbm>> -> memref<1x80xi32, #tpu.memory_space<hbm>>
    %dma_start3A_133 = tpu.memref_squeeze %dma_start3A_132 : memref<1x80xi32, #tpu.memory_space<hbm>> -> memref<80xi32, #tpu.memory_space<hbm>>
    %dma_start3A_134 = arith.constant 0 : i32
    %dma_start3A_135 = tpu.memref_slice %arg7[%dma_start3A_123, %dma_start3A_134] : memref<6x80xi32, #tpu.memory_space<vmem>> -> memref<1x80xi32, #tpu.memory_space<vmem>>
    %dma_start3A_136 = tpu.memref_squeeze %dma_start3A_135 : memref<1x80xi32, #tpu.memory_space<vmem>> -> memref<80xi32, #tpu.memory_space<vmem>>
    %dma_start3A_137 = arith.constant 0 : i32
    %dma_start3A_138 = arith.constant 0 : i32
    %dma_start3A_139 = tpu.memref_slice %arg2[%dma_start3A_121, %arg0, %arg1, %dma_start3A_137, %dma_start3A_138] : memref<2x2x16x125x80xi32, #tpu.memory_space<hbm>> -> memref<1x1x1x125x80xi32, #tpu.memory_space<hbm>>
    %dma_start3A_140 = tpu.memref_squeeze %dma_start3A_139 : memref<1x1x1x125x80xi32, #tpu.memory_space<hbm>> -> memref<125x80xi32, #tpu.memory_space<hbm>>
    %dma_start3A_141 = arith.constant 0 : i32
    %dma_start3A_142 = tpu.memref_slice %dma_start3A_140[%dma_start3A_122, %dma_start3A_141] : memref<125x80xi32, #tpu.memory_space<hbm>> -> memref<1x80xi32, #tpu.memory_space<hbm>>
    %dma_start3A_143 = tpu.memref_squeeze %dma_start3A_142 : memref<1x80xi32, #tpu.memory_space<hbm>> -> memref<80xi32, #tpu.memory_space<hbm>>
    tpu.enqueue_dma source(%dma_start3A_143 : memref<80xi32, #tpu.memory_space<hbm>>) target(%dma_start3A_136 : memref<80xi32, #tpu.memory_space<vmem>>) target_semaphore(%arg12 : memref<!tpu.dma_semaphore, #tpu.memory_space<semaphore_mem>>)
    %dma_start3A_144 = arith.constant 0 : i32
    %dma_start3A_145 = arith.constant 3 : i32
    %dma_start3A_146 = arith.constant 3 : i32
    %dma_start3A_147 = arith.constant 0 : i32
    %dma_start3A_148 = tpu.memref_slice %arg6[%dma_start3A_146, %dma_start3A_147] : memref<6x80xi32, #tpu.memory_space<vmem>> -> memref<1x80xi32, #tpu.memory_space<vmem>>
    %dma_start3A_149 = tpu.memref_squeeze %dma_start3A_148 : memref<1x80xi32, #tpu.memory_space<vmem>> -> memref<80xi32, #tpu.memory_space<vmem>>
    %dma_start3A_150 = arith.constant 0 : i32
    %dma_start3A_151 = arith.constant 0 : i32
    %dma_start3A_152 = tpu.memref_slice %arg2[%dma_start3A_144, %arg0, %arg1, %dma_start3A_150, %dma_start3A_151] : memref<2x2x16x125x80xi32, #tpu.memory_space<hbm>> -> memref<1x1x1x125x80xi32, #tpu.memory_space<hbm>>
    %dma_start3A_153 = tpu.memref_squeeze %dma_start3A_152 : memref<1x1x1x125x80xi32, #tpu.memory_space<hbm>> -> memref<125x80xi32, #tpu.memory_space<hbm>>
    %dma_start3A_154 = arith.constant 0 : i32
    %dma_start3A_155 = tpu.memref_slice %dma_start3A_153[%dma_start3A_145, %dma_start3A_154] : memref<125x80xi32, #tpu.memory_space<hbm>> -> memref<1x80xi32, #tpu.memory_space<hbm>>
    %dma_start3A_156 = tpu.memref_squeeze %dma_start3A_155 : memref<1x80xi32, #tpu.memory_space<hbm>> -> memref<80xi32, #tpu.memory_space<hbm>>
    %dma_start3A_157 = arith.constant 0 : i32
    %dma_start3A_158 = tpu.memref_slice %arg6[%dma_start3A_146, %dma_start3A_157] : memref<6x80xi32, #tpu.memory_space<vmem>> -> memref<1x80xi32, #tpu.memory_space<vmem>>
    %dma_start3A_159 = tpu.memref_squeeze %dma_start3A_158 : memref<1x80xi32, #tpu.memory_space<vmem>> -> memref<80xi32, #tpu.memory_space<vmem>>
    %dma_start3A_160 = arith.constant 0 : i32
    %dma_start3A_161 = arith.constant 0 : i32
    %dma_start3A_162 = tpu.memref_slice %arg2[%dma_start3A_144, %arg0, %arg1, %dma_start3A_160, %dma_start3A_161] : memref<2x2x16x125x80xi32, #tpu.memory_space<hbm>> -> memref<1x1x1x125x80xi32, #tpu.memory_space<hbm>>
    %dma_start3A_163 = tpu.memref_squeeze %dma_start3A_162 : memref<1x1x1x125x80xi32, #tpu.memory_space<hbm>> -> memref<125x80xi32, #tpu.memory_space<hbm>>
    %dma_start3A_164 = arith.constant 0 : i32
    %dma_start3A_165 = tpu.memref_slice %dma_start3A_163[%dma_start3A_145, %dma_start3A_164] : memref<125x80xi32, #tpu.memory_space<hbm>> -> memref<1x80xi32, #tpu.memory_space<hbm>>
    %dma_start3A_166 = tpu.memref_squeeze %dma_start3A_165 : memref<1x80xi32, #tpu.memory_space<hbm>> -> memref<80xi32, #tpu.memory_space<hbm>>
    tpu.enqueue_dma source(%dma_start3A_166 : memref<80xi32, #tpu.memory_space<hbm>>) target(%dma_start3A_159 : memref<80xi32, #tpu.memory_space<vmem>>) target_semaphore(%arg12 : memref<!tpu.dma_semaphore, #tpu.memory_space<semaphore_mem>>)
    %dma_start3A_167 = arith.constant 1 : i32
    %dma_start3A_168 = arith.constant 3 : i32
    %dma_start3A_169 = arith.constant 3 : i32
    %dma_start3A_170 = arith.constant 0 : i32
    %dma_start3A_171 = tpu.memref_slice %arg7[%dma_start3A_169, %dma_start3A_170] : memref<6x80xi32, #tpu.memory_space<vmem>> -> memref<1x80xi32, #tpu.memory_space<vmem>>
    %dma_start3A_172 = tpu.memref_squeeze %dma_start3A_171 : memref<1x80xi32, #tpu.memory_space<vmem>> -> memref<80xi32, #tpu.memory_space<vmem>>
    %dma_start3A_173 = arith.constant 0 : i32
    %dma_start3A_174 = arith.constant 0 : i32
    %dma_start3A_175 = tpu.memref_slice %arg2[%dma_start3A_167, %arg0, %arg1, %dma_start3A_173, %dma_start3A_174] : memref<2x2x16x125x80xi32, #tpu.memory_space<hbm>> -> memref<1x1x1x125x80xi32, #tpu.memory_space<hbm>>
    %dma_start3A_176 = tpu.memref_squeeze %dma_start3A_175 : memref<1x1x1x125x80xi32, #tpu.memory_space<hbm>> -> memref<125x80xi32, #tpu.memory_space<hbm>>
    %dma_start3A_177 = arith.constant 0 : i32
    %dma_start3A_178 = tpu.memref_slice %dma_start3A_176[%dma_start3A_168, %dma_start3A_177] : memref<125x80xi32, #tpu.memory_space<hbm>> -> memref<1x80xi32, #tpu.memory_space<hbm>>
    %dma_start3A_179 = tpu.memref_squeeze %dma_start3A_178 : memref<1x80xi32, #tpu.memory_space<hbm>> -> memref<80xi32, #tpu.memory_space<hbm>>
    %dma_start3A_180 = arith.constant 0 : i32
    %dma_start3A_181 = tpu.memref_slice %arg7[%dma_start3A_169, %dma_start3A_180] : memref<6x80xi32, #tpu.memory_space<vmem>> -> memref<1x80xi32, #tpu.memory_space<vmem>>
    %dma_start3A_182 = tpu.memref_squeeze %dma_start3A_181 : memref<1x80xi32, #tpu.memory_space<vmem>> -> memref<80xi32, #tpu.memory_space<vmem>>
    %dma_start3A_183 = arith.constant 0 : i32
    %dma_start3A_184 = arith.constant 0 : i32
    %dma_start3A_185 = tpu.memref_slice %arg2[%dma_start3A_167, %arg0, %arg1, %dma_start3A_183, %dma_start3A_184] : memref<2x2x16x125x80xi32, #tpu.memory_space<hbm>> -> memref<1x1x1x125x80xi32, #tpu.memory_space<hbm>>
    %dma_start3A_186 = tpu.memref_squeeze %dma_start3A_185 : memref<1x1x1x125x80xi32, #tpu.memory_space<hbm>> -> memref<125x80xi32, #tpu.memory_space<hbm>>
    %dma_start3A_187 = arith.constant 0 : i32
    %dma_start3A_188 = tpu.memref_slice %dma_start3A_186[%dma_start3A_168, %dma_start3A_187] : memref<125x80xi32, #tpu.memory_space<hbm>> -> memref<1x80xi32, #tpu.memory_space<hbm>>
    %dma_start3A_189 = tpu.memref_squeeze %dma_start3A_188 : memref<1x80xi32, #tpu.memory_space<hbm>> -> memref<80xi32, #tpu.memory_space<hbm>>
    tpu.enqueue_dma source(%dma_start3A_189 : memref<80xi32, #tpu.memory_space<hbm>>) target(%dma_start3A_182 : memref<80xi32, #tpu.memory_space<vmem>>) target_semaphore(%arg12 : memref<!tpu.dma_semaphore, #tpu.memory_space<semaphore_mem>>)
    %dma_start3A_190 = arith.constant 0 : i32
    %dma_start3A_191 = arith.constant 4 : i32
    %dma_start3A_192 = arith.constant 4 : i32
    %dma_start3A_193 = arith.constant 0 : i32
    %dma_start3A_194 = tpu.memref_slice %arg6[%dma_start3A_192, %dma_start3A_193] : memref<6x80xi32, #tpu.memory_space<vmem>> -> memref<1x80xi32, #tpu.memory_space<vmem>>
    %dma_start3A_195 = tpu.memref_squeeze %dma_start3A_194 : memref<1x80xi32, #tpu.memory_space<vmem>> -> memref<80xi32, #tpu.memory_space<vmem>>
    %dma_start3A_196 = arith.constant 0 : i32
    %dma_start3A_197 = arith.constant 0 : i32
    %dma_start3A_198 = tpu.memref_slice %arg2[%dma_start3A_190, %arg0, %arg1, %dma_start3A_196, %dma_start3A_197] : memref<2x2x16x125x80xi32, #tpu.memory_space<hbm>> -> memref<1x1x1x125x80xi32, #tpu.memory_space<hbm>>
    %dma_start3A_199 = tpu.memref_squeeze %dma_start3A_198 : memref<1x1x1x125x80xi32, #tpu.memory_space<hbm>> -> memref<125x80xi32, #tpu.memory_space<hbm>>
    %dma_start3A_200 = arith.constant 0 : i32
    %dma_start3A_201 = tpu.memref_slice %dma_start3A_199[%dma_start3A_191, %dma_start3A_200] : memref<125x80xi32, #tpu.memory_space<hbm>> -> memref<1x80xi32, #tpu.memory_space<hbm>>
    %dma_start3A_202 = tpu.memref_squeeze %dma_start3A_201 : memref<1x80xi32, #tpu.memory_space<hbm>> -> memref<80xi32, #tpu.memory_space<hbm>>
    %dma_start3A_203 = arith.constant 0 : i32
    %dma_start3A_204 = tpu.memref_slice %arg6[%dma_start3A_192, %dma_start3A_203] : memref<6x80xi32, #tpu.memory_space<vmem>> -> memref<1x80xi32, #tpu.memory_space<vmem>>
    %dma_start3A_205 = tpu.memref_squeeze %dma_start3A_204 : memref<1x80xi32, #tpu.memory_space<vmem>> -> memref<80xi32, #tpu.memory_space<vmem>>
    %dma_start3A_206 = arith.constant 0 : i32
    %dma_start3A_207 = arith.constant 0 : i32
    %dma_start3A_208 = tpu.memref_slice %arg2[%dma_start3A_190, %arg0, %arg1, %dma_start3A_206, %dma_start3A_207] : memref<2x2x16x125x80xi32, #tpu.memory_space<hbm>> -> memref<1x1x1x125x80xi32, #tpu.memory_space<hbm>>
    %dma_start3A_209 = tpu.memref_squeeze %dma_start3A_208 : memref<1x1x1x125x80xi32, #tpu.memory_space<hbm>> -> memref<125x80xi32, #tpu.memory_space<hbm>>
    %dma_start3A_210 = arith.constant 0 : i32
    %dma_start3A_211 = tpu.memref_slice %dma_start3A_209[%dma_start3A_191, %dma_start3A_210] : memref<125x80xi32, #tpu.memory_space<hbm>> -> memref<1x80xi32, #tpu.memory_space<hbm>>
    %dma_start3A_212 = tpu.memref_squeeze %dma_start3A_211 : memref<1x80xi32, #tpu.memory_space<hbm>> -> memref<80xi32, #tpu.memory_space<hbm>>
    tpu.enqueue_dma source(%dma_start3A_212 : memref<80xi32, #tpu.memory_space<hbm>>) target(%dma_start3A_205 : memref<80xi32, #tpu.memory_space<vmem>>) target_semaphore(%arg12 : memref<!tpu.dma_semaphore, #tpu.memory_space<semaphore_mem>>)
    %dma_start3A_213 = arith.constant 1 : i32
    %dma_start3A_214 = arith.constant 4 : i32
    %dma_start3A_215 = arith.constant 4 : i32
    %dma_start3A_216 = arith.constant 0 : i32
    %dma_start3A_217 = tpu.memref_slice %arg7[%dma_start3A_215, %dma_start3A_216] : memref<6x80xi32, #tpu.memory_space<vmem>> -> memref<1x80xi32, #tpu.memory_space<vmem>>
    %dma_start3A_218 = tpu.memref_squeeze %dma_start3A_217 : memref<1x80xi32, #tpu.memory_space<vmem>> -> memref<80xi32, #tpu.memory_space<vmem>>
    %dma_start3A_219 = arith.constant 0 : i32
    %dma_start3A_220 = arith.constant 0 : i32
    %dma_start3A_221 = tpu.memref_slice %arg2[%dma_start3A_213, %arg0, %arg1, %dma_start3A_219, %dma_start3A_220] : memref<2x2x16x125x80xi32, #tpu.memory_space<hbm>> -> memref<1x1x1x125x80xi32, #tpu.memory_space<hbm>>
    %dma_start3A_222 = tpu.memref_squeeze %dma_start3A_221 : memref<1x1x1x125x80xi32, #tpu.memory_space<hbm>> -> memref<125x80xi32, #tpu.memory_space<hbm>>
    %dma_start3A_223 = arith.constant 0 : i32
    %dma_start3A_224 = tpu.memref_slice %dma_start3A_222[%dma_start3A_214, %dma_start3A_223] : memref<125x80xi32, #tpu.memory_space<hbm>> -> memref<1x80xi32, #tpu.memory_space<hbm>>
    %dma_start3A_225 = tpu.memref_squeeze %dma_start3A_224 : memref<1x80xi32, #tpu.memory_space<hbm>> -> memref<80xi32, #tpu.memory_space<hbm>>
    %dma_start3A_226 = arith.constant 0 : i32
    %dma_start3A_227 = tpu.memref_slice %arg7[%dma_start3A_215, %dma_start3A_226] : memref<6x80xi32, #tpu.memory_space<vmem>> -> memref<1x80xi32, #tpu.memory_space<vmem>>
    %dma_start3A_228 = tpu.memref_squeeze %dma_start3A_227 : memref<1x80xi32, #tpu.memory_space<vmem>> -> memref<80xi32, #tpu.memory_space<vmem>>
    %dma_start3A_229 = arith.constant 0 : i32
    %dma_start3A_230 = arith.constant 0 : i32
    %dma_start3A_231 = tpu.memref_slice %arg2[%dma_start3A_213, %arg0, %arg1, %dma_start3A_229, %dma_start3A_230] : memref<2x2x16x125x80xi32, #tpu.memory_space<hbm>> -> memref<1x1x1x125x80xi32, #tpu.memory_space<hbm>>
    %dma_start3A_232 = tpu.memref_squeeze %dma_start3A_231 : memref<1x1x1x125x80xi32, #tpu.memory_space<hbm>> -> memref<125x80xi32, #tpu.memory_space<hbm>>
    %dma_start3A_233 = arith.constant 0 : i32
    %dma_start3A_234 = tpu.memref_slice %dma_start3A_232[%dma_start3A_214, %dma_start3A_233] : memref<125x80xi32, #tpu.memory_space<hbm>> -> memref<1x80xi32, #tpu.memory_space<hbm>>
    %dma_start3A_235 = tpu.memref_squeeze %dma_start3A_234 : memref<1x80xi32, #tpu.memory_space<hbm>> -> memref<80xi32, #tpu.memory_space<hbm>>
    tpu.enqueue_dma source(%dma_start3A_235 : memref<80xi32, #tpu.memory_space<hbm>>) target(%dma_start3A_228 : memref<80xi32, #tpu.memory_space<vmem>>) target_semaphore(%arg12 : memref<!tpu.dma_semaphore, #tpu.memory_space<semaphore_mem>>)
    %dma_start3A_236 = arith.constant 0 : i32
    %dma_start3A_237 = arith.constant 5 : i32
    %dma_start3A_238 = arith.constant 5 : i32
    %dma_start3A_239 = arith.constant 0 : i32
    %dma_start3A_240 = tpu.memref_slice %arg6[%dma_start3A_238, %dma_start3A_239] : memref<6x80xi32, #tpu.memory_space<vmem>> -> memref<1x80xi32, #tpu.memory_space<vmem>>
    %dma_start3A_241 = tpu.memref_squeeze %dma_start3A_240 : memref<1x80xi32, #tpu.memory_space<vmem>> -> memref<80xi32, #tpu.memory_space<vmem>>
    %dma_start3A_242 = arith.constant 0 : i32
    %dma_start3A_243 = arith.constant 0 : i32
    %dma_start3A_244 = tpu.memref_slice %arg2[%dma_start3A_236, %arg0, %arg1, %dma_start3A_242, %dma_start3A_243] : memref<2x2x16x125x80xi32, #tpu.memory_space<hbm>> -> memref<1x1x1x125x80xi32, #tpu.memory_space<hbm>>
    %dma_start3A_245 = tpu.memref_squeeze %dma_start3A_244 : memref<1x1x1x125x80xi32, #tpu.memory_space<hbm>> -> memref<125x80xi32, #tpu.memory_space<hbm>>
    %dma_start3A_246 = arith.constant 0 : i32
    %dma_start3A_247 = tpu.memref_slice %dma_start3A_245[%dma_start3A_237, %dma_start3A_246] : memref<125x80xi32, #tpu.memory_space<hbm>> -> memref<1x80xi32, #tpu.memory_space<hbm>>
    %dma_start3A_248 = tpu.memref_squeeze %dma_start3A_247 : memref<1x80xi32, #tpu.memory_space<hbm>> -> memref<80xi32, #tpu.memory_space<hbm>>
    %dma_start3A_249 = arith.constant 0 : i32
    %dma_start3A_250 = tpu.memref_slice %arg6[%dma_start3A_238, %dma_start3A_249] : memref<6x80xi32, #tpu.memory_space<vmem>> -> memref<1x80xi32, #tpu.memory_space<vmem>>
    %dma_start3A_251 = tpu.memref_squeeze %dma_start3A_250 : memref<1x80xi32, #tpu.memory_space<vmem>> -> memref<80xi32, #tpu.memory_space<vmem>>
    %dma_start3A_252 = arith.constant 0 : i32
    %dma_start3A_253 = arith.constant 0 : i32
    %dma_start3A_254 = tpu.memref_slice %arg2[%dma_start3A_236, %arg0, %arg1, %dma_start3A_252, %dma_start3A_253] : memref<2x2x16x125x80xi32, #tpu.memory_space<hbm>> -> memref<1x1x1x125x80xi32, #tpu.memory_space<hbm>>
    %dma_start3A_255 = tpu.memref_squeeze %dma_start3A_254 : memref<1x1x1x125x80xi32, #tpu.memory_space<hbm>> -> memref<125x80xi32, #tpu.memory_space<hbm>>
    %dma_start3A_256 = arith.constant 0 : i32
    %dma_start3A_257 = tpu.memref_slice %dma_start3A_255[%dma_start3A_237, %dma_start3A_256] : memref<125x80xi32, #tpu.memory_space<hbm>> -> memref<1x80xi32, #tpu.memory_space<hbm>>
    %dma_start3A_258 = tpu.memref_squeeze %dma_start3A_257 : memref<1x80xi32, #tpu.memory_space<hbm>> -> memref<80xi32, #tpu.memory_space<hbm>>
    tpu.enqueue_dma source(%dma_start3A_258 : memref<80xi32, #tpu.memory_space<hbm>>) target(%dma_start3A_251 : memref<80xi32, #tpu.memory_space<vmem>>) target_semaphore(%arg12 : memref<!tpu.dma_semaphore, #tpu.memory_space<semaphore_mem>>)
    %dma_start3A_259 = arith.constant 1 : i32
    %dma_start3A_260 = arith.constant 5 : i32
    %dma_start3A_261 = arith.constant 5 : i32
    %dma_start3A_262 = arith.constant 0 : i32
    %dma_start3A_263 = tpu.memref_slice %arg7[%dma_start3A_261, %dma_start3A_262] : memref<6x80xi32, #tpu.memory_space<vmem>> -> memref<1x80xi32, #tpu.memory_space<vmem>>
    %dma_start3A_264 = tpu.memref_squeeze %dma_start3A_263 : memref<1x80xi32, #tpu.memory_space<vmem>> -> memref<80xi32, #tpu.memory_space<vmem>>
    %dma_start3A_265 = arith.constant 0 : i32
    %dma_start3A_266 = arith.constant 0 : i32
    %dma_start3A_267 = tpu.memref_slice %arg2[%dma_start3A_259, %arg0, %arg1, %dma_start3A_265, %dma_start3A_266] : memref<2x2x16x125x80xi32, #tpu.memory_space<hbm>> -> memref<1x1x1x125x80xi32, #tpu.memory_space<hbm>>
    %dma_start3A_268 = tpu.memref_squeeze %dma_start3A_267 : memref<1x1x1x125x80xi32, #tpu.memory_space<hbm>> -> memref<125x80xi32, #tpu.memory_space<hbm>>
    %dma_start3A_269 = arith.constant 0 : i32
    %dma_start3A_270 = tpu.memref_slice %dma_start3A_268[%dma_start3A_260, %dma_start3A_269] : memref<125x80xi32, #tpu.memory_space<hbm>> -> memref<1x80xi32, #tpu.memory_space<hbm>>
    %dma_start3A_271 = tpu.memref_squeeze %dma_start3A_270 : memref<1x80xi32, #tpu.memory_space<hbm>> -> memref<80xi32, #tpu.memory_space<hbm>>
    %dma_start3A_272 = arith.constant 0 : i32
    %dma_start3A_273 = tpu.memref_slice %arg7[%dma_start3A_261, %dma_start3A_272] : memref<6x80xi32, #tpu.memory_space<vmem>> -> memref<1x80xi32, #tpu.memory_space<vmem>>
    %dma_start3A_274 = tpu.memref_squeeze %dma_start3A_273 : memref<1x80xi32, #tpu.memory_space<vmem>> -> memref<80xi32, #tpu.memory_space<vmem>>
    %dma_start3A_275 = arith.constant 0 : i32
    %dma_start3A_276 = arith.constant 0 : i32
    %dma_start3A_277 = tpu.memref_slice %arg2[%dma_start3A_259, %arg0, %arg1, %dma_start3A_275, %dma_start3A_276] : memref<2x2x16x125x80xi32, #tpu.memory_space<hbm>> -> memref<1x1x1x125x80xi32, #tpu.memory_space<hbm>>
    %dma_start3A_278 = tpu.memref_squeeze %dma_start3A_277 : memref<1x1x1x125x80xi32, #tpu.memory_space<hbm>> -> memref<125x80xi32, #tpu.memory_space<hbm>>
    %dma_start3A_279 = arith.constant 0 : i32
    %dma_start3A_280 = tpu.memref_slice %dma_start3A_278[%dma_start3A_260, %dma_start3A_279] : memref<125x80xi32, #tpu.memory_space<hbm>> -> memref<1x80xi32, #tpu.memory_space<hbm>>
    %dma_start3A_281 = tpu.memref_squeeze %dma_start3A_280 : memref<1x80xi32, #tpu.memory_space<hbm>> -> memref<80xi32, #tpu.memory_space<hbm>>
    tpu.enqueue_dma source(%dma_start3A_281 : memref<80xi32, #tpu.memory_space<hbm>>) target(%dma_start3A_274 : memref<80xi32, #tpu.memory_space<vmem>>) target_semaphore(%arg12 : memref<!tpu.dma_semaphore, #tpu.memory_space<semaphore_mem>>)
    %dma_wait3A = arith.constant 0 : i32
    %dma_wait3A_282 = arith.constant 0 : i32
    %dma_wait3A_283 = arith.constant 0 : i32
    %dma_wait3A_284 = arith.constant 0 : i32
    %dma_wait3A_285 = tpu.memref_slice %arg6[%dma_wait3A_283, %dma_wait3A_284] : memref<6x80xi32, #tpu.memory_space<vmem>> -> memref<1x80xi32, #tpu.memory_space<vmem>>
    %dma_wait3A_286 = tpu.memref_squeeze %dma_wait3A_285 : memref<1x80xi32, #tpu.memory_space<vmem>> -> memref<80xi32, #tpu.memory_space<vmem>>
    %dma_wait3A_287 = arith.constant 0 : i32
    %dma_wait3A_288 = arith.constant 0 : i32
    %dma_wait3A_289 = tpu.memref_slice %arg2[%dma_wait3A, %arg0, %arg1, %dma_wait3A_287, %dma_wait3A_288] : memref<2x2x16x125x80xi32, #tpu.memory_space<hbm>> -> memref<1x1x1x125x80xi32, #tpu.memory_space<hbm>>
    %dma_wait3A_290 = tpu.memref_squeeze %dma_wait3A_289 : memref<1x1x1x125x80xi32, #tpu.memory_space<hbm>> -> memref<125x80xi32, #tpu.memory_space<hbm>>
    %dma_wait3A_291 = arith.constant 0 : i32
    %dma_wait3A_292 = tpu.memref_slice %dma_wait3A_290[%dma_wait3A_282, %dma_wait3A_291] : memref<125x80xi32, #tpu.memory_space<hbm>> -> memref<1x80xi32, #tpu.memory_space<hbm>>
    %dma_wait3A_293 = tpu.memref_squeeze %dma_wait3A_292 : memref<1x80xi32, #tpu.memory_space<hbm>> -> memref<80xi32, #tpu.memory_space<hbm>>
    %dma_wait3A_294 = arith.constant 0 : i32
    %dma_wait3A_295 = tpu.memref_slice %arg6[%dma_wait3A_283, %dma_wait3A_294] : memref<6x80xi32, #tpu.memory_space<vmem>> -> memref<1x80xi32, #tpu.memory_space<vmem>>
    %dma_wait3A_296 = tpu.memref_squeeze %dma_wait3A_295 : memref<1x80xi32, #tpu.memory_space<vmem>> -> memref<80xi32, #tpu.memory_space<vmem>>
    %dma_wait3A_297 = arith.constant 0 : i32
    %dma_wait3A_298 = arith.constant 0 : i32
    %dma_wait3A_299 = tpu.memref_slice %arg2[%dma_wait3A, %arg0, %arg1, %dma_wait3A_297, %dma_wait3A_298] : memref<2x2x16x125x80xi32, #tpu.memory_space<hbm>> -> memref<1x1x1x125x80xi32, #tpu.memory_space<hbm>>
    %dma_wait3A_300 = tpu.memref_squeeze %dma_wait3A_299 : memref<1x1x1x125x80xi32, #tpu.memory_space<hbm>> -> memref<125x80xi32, #tpu.memory_space<hbm>>
    %dma_wait3A_301 = arith.constant 0 : i32
    %dma_wait3A_302 = tpu.memref_slice %dma_wait3A_300[%dma_wait3A_282, %dma_wait3A_301] : memref<125x80xi32, #tpu.memory_space<hbm>> -> memref<1x80xi32, #tpu.memory_space<hbm>>
    %dma_wait3A_303 = tpu.memref_squeeze %dma_wait3A_302 : memref<1x80xi32, #tpu.memory_space<hbm>> -> memref<80xi32, #tpu.memory_space<hbm>>
    tpu.wait_dma2 semaphore(%arg12 : memref<!tpu.dma_semaphore, #tpu.memory_space<semaphore_mem>>) src(%dma_wait3A_303 : memref<80xi32, #tpu.memory_space<hbm>>) dst(%dma_wait3A_296 : memref<80xi32, #tpu.memory_space<vmem>>)
    %dma_wait3A_304 = arith.constant 0 : i32
    %dma_wait3A_305 = arith.constant 0 : i32
    %dma_wait3A_306 = arith.constant 0 : i32
    %dma_wait3A_307 = arith.constant 0 : i32
    %dma_wait3A_308 = tpu.memref_slice %arg6[%dma_wait3A_306, %dma_wait3A_307] : memref<6x80xi32, #tpu.memory_space<vmem>> -> memref<1x80xi32, #tpu.memory_space<vmem>>
    %dma_wait3A_309 = tpu.memref_squeeze %dma_wait3A_308 : memref<1x80xi32, #tpu.memory_space<vmem>> -> memref<80xi32, #tpu.memory_space<vmem>>
    %dma_wait3A_310 = arith.constant 0 : i32
    %dma_wait3A_311 = arith.constant 0 : i32
    %dma_wait3A_312 = tpu.memref_slice %arg2[%dma_wait3A_304, %arg0, %arg1, %dma_wait3A_310, %dma_wait3A_311] : memref<2x2x16x125x80xi32, #tpu.memory_space<hbm>> -> memref<1x1x1x125x80xi32, #tpu.memory_space<hbm>>
    %dma_wait3A_313 = tpu.memref_squeeze %dma_wait3A_312 : memref<1x1x1x125x80xi32, #tpu.memory_space<hbm>> -> memref<125x80xi32, #tpu.memory_space<hbm>>
    %dma_wait3A_314 = arith.constant 0 : i32
    %dma_wait3A_315 = tpu.memref_slice %dma_wait3A_313[%dma_wait3A_305, %dma_wait3A_314] : memref<125x80xi32, #tpu.memory_space<hbm>> -> memref<1x80xi32, #tpu.memory_space<hbm>>
    %dma_wait3A_316 = tpu.memref_squeeze %dma_wait3A_315 : memref<1x80xi32, #tpu.memory_space<hbm>> -> memref<80xi32, #tpu.memory_space<hbm>>
    %dma_wait3A_317 = arith.constant 0 : i32
    %dma_wait3A_318 = tpu.memref_slice %arg6[%dma_wait3A_306, %dma_wait3A_317] : memref<6x80xi32, #tpu.memory_space<vmem>> -> memref<1x80xi32, #tpu.memory_space<vmem>>
    %dma_wait3A_319 = tpu.memref_squeeze %dma_wait3A_318 : memref<1x80xi32, #tpu.memory_space<vmem>> -> memref<80xi32, #tpu.memory_space<vmem>>
    %dma_wait3A_320 = arith.constant 0 : i32
    %dma_wait3A_321 = arith.constant 0 : i32
    %dma_wait3A_322 = tpu.memref_slice %arg2[%dma_wait3A_304, %arg0, %arg1, %dma_wait3A_320, %dma_wait3A_321] : memref<2x2x16x125x80xi32, #tpu.memory_space<hbm>> -> memref<1x1x1x125x80xi32, #tpu.memory_space<hbm>>
    %dma_wait3A_323 = tpu.memref_squeeze %dma_wait3A_322 : memref<1x1x1x125x80xi32, #tpu.memory_space<hbm>> -> memref<125x80xi32, #tpu.memory_space<hbm>>
    %dma_wait3A_324 = arith.constant 0 : i32
    %dma_wait3A_325 = tpu.memref_slice %dma_wait3A_323[%dma_wait3A_305, %dma_wait3A_324] : memref<125x80xi32, #tpu.memory_space<hbm>> -> memref<1x80xi32, #tpu.memory_space<hbm>>
    %dma_wait3A_326 = tpu.memref_squeeze %dma_wait3A_325 : memref<1x80xi32, #tpu.memory_space<hbm>> -> memref<80xi32, #tpu.memory_space<hbm>>
    tpu.wait_dma2 semaphore(%arg12 : memref<!tpu.dma_semaphore, #tpu.memory_space<semaphore_mem>>) src(%dma_wait3A_326 : memref<80xi32, #tpu.memory_space<hbm>>) dst(%dma_wait3A_319 : memref<80xi32, #tpu.memory_space<vmem>>)
    %dma_wait3A_327 = arith.constant 0 : i32
    %dma_wait3A_328 = arith.constant 0 : i32
    %dma_wait3A_329 = arith.constant 0 : i32
    %dma_wait3A_330 = arith.constant 0 : i32
    %dma_wait3A_331 = tpu.memref_slice %arg6[%dma_wait3A_329, %dma_wait3A_330] : memref<6x80xi32, #tpu.memory_space<vmem>> -> memref<1x80xi32, #tpu.memory_space<vmem>>
    %dma_wait3A_332 = tpu.memref_squeeze %dma_wait3A_331 : memref<1x80xi32, #tpu.memory_space<vmem>> -> memref<80xi32, #tpu.memory_space<vmem>>
    %dma_wait3A_333 = arith.constant 0 : i32
    %dma_wait3A_334 = arith.constant 0 : i32
    %dma_wait3A_335 = tpu.memref_slice %arg2[%dma_wait3A_327, %arg0, %arg1, %dma_wait3A_333, %dma_wait3A_334] : memref<2x2x16x125x80xi32, #tpu.memory_space<hbm>> -> memref<1x1x1x125x80xi32, #tpu.memory_space<hbm>>
    %dma_wait3A_336 = tpu.memref_squeeze %dma_wait3A_335 : memref<1x1x1x125x80xi32, #tpu.memory_space<hbm>> -> memref<125x80xi32, #tpu.memory_space<hbm>>
    %dma_wait3A_337 = arith.constant 0 : i32
    %dma_wait3A_338 = tpu.memref_slice %dma_wait3A_336[%dma_wait3A_328, %dma_wait3A_337] : memref<125x80xi32, #tpu.memory_space<hbm>> -> memref<1x80xi32, #tpu.memory_space<hbm>>
    %dma_wait3A_339 = tpu.memref_squeeze %dma_wait3A_338 : memref<1x80xi32, #tpu.memory_space<hbm>> -> memref<80xi32, #tpu.memory_space<hbm>>
    %dma_wait3A_340 = arith.constant 0 : i32
    %dma_wait3A_341 = tpu.memref_slice %arg6[%dma_wait3A_329, %dma_wait3A_340] : memref<6x80xi32, #tpu.memory_space<vmem>> -> memref<1x80xi32, #tpu.memory_space<vmem>>
    %dma_wait3A_342 = tpu.memref_squeeze %dma_wait3A_341 : memref<1x80xi32, #tpu.memory_space<vmem>> -> memref<80xi32, #tpu.memory_space<vmem>>
    %dma_wait3A_343 = arith.constant 0 : i32
    %dma_wait3A_344 = arith.constant 0 : i32
    %dma_wait3A_345 = tpu.memref_slice %arg2[%dma_wait3A_327, %arg0, %arg1, %dma_wait3A_343, %dma_wait3A_344] : memref<2x2x16x125x80xi32, #tpu.memory_space<hbm>> -> memref<1x1x1x125x80xi32, #tpu.memory_space<hbm>>
    %dma_wait3A_346 = tpu.memref_squeeze %dma_wait3A_345 : memref<1x1x1x125x80xi32, #tpu.memory_space<hbm>> -> memref<125x80xi32, #tpu.memory_space<hbm>>
    %dma_wait3A_347 = arith.constant 0 : i32
    %dma_wait3A_348 = tpu.memref_slice %dma_wait3A_346[%dma_wait3A_328, %dma_wait3A_347] : memref<125x80xi32, #tpu.memory_space<hbm>> -> memref<1x80xi32, #tpu.memory_space<hbm>>
    %dma_wait3A_349 = tpu.memref_squeeze %dma_wait3A_348 : memref<1x80xi32, #tpu.memory_space<hbm>> -> memref<80xi32, #tpu.memory_space<hbm>>
    tpu.wait_dma2 semaphore(%arg12 : memref<!tpu.dma_semaphore, #tpu.memory_space<semaphore_mem>>) src(%dma_wait3A_349 : memref<80xi32, #tpu.memory_space<hbm>>) dst(%dma_wait3A_342 : memref<80xi32, #tpu.memory_space<vmem>>)
    %dma_wait3A_350 = arith.constant 0 : i32
    %dma_wait3A_351 = arith.constant 0 : i32
    %dma_wait3A_352 = arith.constant 0 : i32
    %dma_wait3A_353 = arith.constant 0 : i32
    %dma_wait3A_354 = tpu.memref_slice %arg6[%dma_wait3A_352, %dma_wait3A_353] : memref<6x80xi32, #tpu.memory_space<vmem>> -> memref<1x80xi32, #tpu.memory_space<vmem>>
    %dma_wait3A_355 = tpu.memref_squeeze %dma_wait3A_354 : memref<1x80xi32, #tpu.memory_space<vmem>> -> memref<80xi32, #tpu.memory_space<vmem>>
    %dma_wait3A_356 = arith.constant 0 : i32
    %dma_wait3A_357 = arith.constant 0 : i32
    %dma_wait3A_358 = tpu.memref_slice %arg2[%dma_wait3A_350, %arg0, %arg1, %dma_wait3A_356, %dma_wait3A_357] : memref<2x2x16x125x80xi32, #tpu.memory_space<hbm>> -> memref<1x1x1x125x80xi32, #tpu.memory_space<hbm>>
    %dma_wait3A_359 = tpu.memref_squeeze %dma_wait3A_358 : memref<1x1x1x125x80xi32, #tpu.memory_space<hbm>> -> memref<125x80xi32, #tpu.memory_space<hbm>>
    %dma_wait3A_360 = arith.constant 0 : i32
    %dma_wait3A_361 = tpu.memref_slice %dma_wait3A_359[%dma_wait3A_351, %dma_wait3A_360] : memref<125x80xi32, #tpu.memory_space<hbm>> -> memref<1x80xi32, #tpu.memory_space<hbm>>
    %dma_wait3A_362 = tpu.memref_squeeze %dma_wait3A_361 : memref<1x80xi32, #tpu.memory_space<hbm>> -> memref<80xi32, #tpu.memory_space<hbm>>
    %dma_wait3A_363 = arith.constant 0 : i32
    %dma_wait3A_364 = tpu.memref_slice %arg6[%dma_wait3A_352, %dma_wait3A_363] : memref<6x80xi32, #tpu.memory_space<vmem>> -> memref<1x80xi32, #tpu.memory_space<vmem>>
    %dma_wait3A_365 = tpu.memref_squeeze %dma_wait3A_364 : memref<1x80xi32, #tpu.memory_space<vmem>> -> memref<80xi32, #tpu.memory_space<vmem>>
    %dma_wait3A_366 = arith.constant 0 : i32
    %dma_wait3A_367 = arith.constant 0 : i32
    %dma_wait3A_368 = tpu.memref_slice %arg2[%dma_wait3A_350, %arg0, %arg1, %dma_wait3A_366, %dma_wait3A_367] : memref<2x2x16x125x80xi32, #tpu.memory_space<hbm>> -> memref<1x1x1x125x80xi32, #tpu.memory_space<hbm>>
    %dma_wait3A_369 = tpu.memref_squeeze %dma_wait3A_368 : memref<1x1x1x125x80xi32, #tpu.memory_space<hbm>> -> memref<125x80xi32, #tpu.memory_space<hbm>>
    %dma_wait3A_370 = arith.constant 0 : i32
    %dma_wait3A_371 = tpu.memref_slice %dma_wait3A_369[%dma_wait3A_351, %dma_wait3A_370] : memref<125x80xi32, #tpu.memory_space<hbm>> -> memref<1x80xi32, #tpu.memory_space<hbm>>
    %dma_wait3A_372 = tpu.memref_squeeze %dma_wait3A_371 : memref<1x80xi32, #tpu.memory_space<hbm>> -> memref<80xi32, #tpu.memory_space<hbm>>
    tpu.wait_dma2 semaphore(%arg12 : memref<!tpu.dma_semaphore, #tpu.memory_space<semaphore_mem>>) src(%dma_wait3A_372 : memref<80xi32, #tpu.memory_space<hbm>>) dst(%dma_wait3A_365 : memref<80xi32, #tpu.memory_space<vmem>>)
    %dma_wait3A_373 = arith.constant 0 : i32
    %dma_wait3A_374 = arith.constant 0 : i32
    %dma_wait3A_375 = arith.constant 0 : i32
    %dma_wait3A_376 = arith.constant 0 : i32
    %dma_wait3A_377 = tpu.memref_slice %arg6[%dma_wait3A_375, %dma_wait3A_376] : memref<6x80xi32, #tpu.memory_space<vmem>> -> memref<1x80xi32, #tpu.memory_space<vmem>>
    %dma_wait3A_378 = tpu.memref_squeeze %dma_wait3A_377 : memref<1x80xi32, #tpu.memory_space<vmem>> -> memref<80xi32, #tpu.memory_space<vmem>>
    %dma_wait3A_379 = arith.constant 0 : i32
    %dma_wait3A_380 = arith.constant 0 : i32
    %dma_wait3A_381 = tpu.memref_slice %arg2[%dma_wait3A_373, %arg0, %arg1, %dma_wait3A_379, %dma_wait3A_380] : memref<2x2x16x125x80xi32, #tpu.memory_space<hbm>> -> memref<1x1x1x125x80xi32, #tpu.memory_space<hbm>>
    %dma_wait3A_382 = tpu.memref_squeeze %dma_wait3A_381 : memref<1x1x1x125x80xi32, #tpu.memory_space<hbm>> -> memref<125x80xi32, #tpu.memory_space<hbm>>
    %dma_wait3A_383 = arith.constant 0 : i32
    %dma_wait3A_384 = tpu.memref_slice %dma_wait3A_382[%dma_wait3A_374, %dma_wait3A_383] : memref<125x80xi32, #tpu.memory_space<hbm>> -> memref<1x80xi32, #tpu.memory_space<hbm>>
    %dma_wait3A_385 = tpu.memref_squeeze %dma_wait3A_384 : memref<1x80xi32, #tpu.memory_space<hbm>> -> memref<80xi32, #tpu.memory_space<hbm>>
    %dma_wait3A_386 = arith.constant 0 : i32
    %dma_wait3A_387 = tpu.memref_slice %arg6[%dma_wait3A_375, %dma_wait3A_386] : memref<6x80xi32, #tpu.memory_space<vmem>> -> memref<1x80xi32, #tpu.memory_space<vmem>>
    %dma_wait3A_388 = tpu.memref_squeeze %dma_wait3A_387 : memref<1x80xi32, #tpu.memory_space<vmem>> -> memref<80xi32, #tpu.memory_space<vmem>>
    %dma_wait3A_389 = arith.constant 0 : i32
    %dma_wait3A_390 = arith.constant 0 : i32
    %dma_wait3A_391 = tpu.memref_slice %arg2[%dma_wait3A_373, %arg0, %arg1, %dma_wait3A_389, %dma_wait3A_390] : memref<2x2x16x125x80xi32, #tpu.memory_space<hbm>> -> memref<1x1x1x125x80xi32, #tpu.memory_space<hbm>>
    %dma_wait3A_392 = tpu.memref_squeeze %dma_wait3A_391 : memref<1x1x1x125x80xi32, #tpu.memory_space<hbm>> -> memref<125x80xi32, #tpu.memory_space<hbm>>
    %dma_wait3A_393 = arith.constant 0 : i32
    %dma_wait3A_394 = tpu.memref_slice %dma_wait3A_392[%dma_wait3A_374, %dma_wait3A_393] : memref<125x80xi32, #tpu.memory_space<hbm>> -> memref<1x80xi32, #tpu.memory_space<hbm>>
    %dma_wait3A_395 = tpu.memref_squeeze %dma_wait3A_394 : memref<1x80xi32, #tpu.memory_space<hbm>> -> memref<80xi32, #tpu.memory_space<hbm>>
    tpu.wait_dma2 semaphore(%arg12 : memref<!tpu.dma_semaphore, #tpu.memory_space<semaphore_mem>>) src(%dma_wait3A_395 : memref<80xi32, #tpu.memory_space<hbm>>) dst(%dma_wait3A_388 : memref<80xi32, #tpu.memory_space<vmem>>)
    %dma_wait3A_396 = arith.constant 0 : i32
    %dma_wait3A_397 = arith.constant 0 : i32
    %dma_wait3A_398 = arith.constant 0 : i32
    %dma_wait3A_399 = arith.constant 0 : i32
    %dma_wait3A_400 = tpu.memref_slice %arg6[%dma_wait3A_398, %dma_wait3A_399] : memref<6x80xi32, #tpu.memory_space<vmem>> -> memref<1x80xi32, #tpu.memory_space<vmem>>
    %dma_wait3A_401 = tpu.memref_squeeze %dma_wait3A_400 : memref<1x80xi32, #tpu.memory_space<vmem>> -> memref<80xi32, #tpu.memory_space<vmem>>
    %dma_wait3A_402 = arith.constant 0 : i32
    %dma_wait3A_403 = arith.constant 0 : i32
    %dma_wait3A_404 = tpu.memref_slice %arg2[%dma_wait3A_396, %arg0, %arg1, %dma_wait3A_402, %dma_wait3A_403] : memref<2x2x16x125x80xi32, #tpu.memory_space<hbm>> -> memref<1x1x1x125x80xi32, #tpu.memory_space<hbm>>
    %dma_wait3A_405 = tpu.memref_squeeze %dma_wait3A_404 : memref<1x1x1x125x80xi32, #tpu.memory_space<hbm>> -> memref<125x80xi32, #tpu.memory_space<hbm>>
    %dma_wait3A_406 = arith.constant 0 : i32
    %dma_wait3A_407 = tpu.memref_slice %dma_wait3A_405[%dma_wait3A_397, %dma_wait3A_406] : memref<125x80xi32, #tpu.memory_space<hbm>> -> memref<1x80xi32, #tpu.memory_space<hbm>>
    %dma_wait3A_408 = tpu.memref_squeeze %dma_wait3A_407 : memref<1x80xi32, #tpu.memory_space<hbm>> -> memref<80xi32, #tpu.memory_space<hbm>>
    %dma_wait3A_409 = arith.constant 0 : i32
    %dma_wait3A_410 = tpu.memref_slice %arg6[%dma_wait3A_398, %dma_wait3A_409] : memref<6x80xi32, #tpu.memory_space<vmem>> -> memref<1x80xi32, #tpu.memory_space<vmem>>
    %dma_wait3A_411 = tpu.memref_squeeze %dma_wait3A_410 : memref<1x80xi32, #tpu.memory_space<vmem>> -> memref<80xi32, #tpu.memory_space<vmem>>
    %dma_wait3A_412 = arith.constant 0 : i32
    %dma_wait3A_413 = arith.constant 0 : i32
    %dma_wait3A_414 = tpu.memref_slice %arg2[%dma_wait3A_396, %arg0, %arg1, %dma_wait3A_412, %dma_wait3A_413] : memref<2x2x16x125x80xi32, #tpu.memory_space<hbm>> -> memref<1x1x1x125x80xi32, #tpu.memory_space<hbm>>
    %dma_wait3A_415 = tpu.memref_squeeze %dma_wait3A_414 : memref<1x1x1x125x80xi32, #tpu.memory_space<hbm>> -> memref<125x80xi32, #tpu.memory_space<hbm>>
    %dma_wait3A_416 = arith.constant 0 : i32
    %dma_wait3A_417 = tpu.memref_slice %dma_wait3A_415[%dma_wait3A_397, %dma_wait3A_416] : memref<125x80xi32, #tpu.memory_space<hbm>> -> memref<1x80xi32, #tpu.memory_space<hbm>>
    %dma_wait3A_418 = tpu.memref_squeeze %dma_wait3A_417 : memref<1x80xi32, #tpu.memory_space<hbm>> -> memref<80xi32, #tpu.memory_space<hbm>>
    tpu.wait_dma2 semaphore(%arg12 : memref<!tpu.dma_semaphore, #tpu.memory_space<semaphore_mem>>) src(%dma_wait3A_418 : memref<80xi32, #tpu.memory_space<hbm>>) dst(%dma_wait3A_411 : memref<80xi32, #tpu.memory_space<vmem>>)
    %dma_start3A_419 = arith.constant 0 : i32
    %dma_start3A_420 = arith.constant 0 : i32
    %dma_start3A_421 = arith.constant 0 : i32
    %dma_start3A_422 = arith.constant 0 : i32
    %dma_start3A_423 = tpu.memref_slice %arg8[%dma_start3A_420, %dma_start3A_421, %dma_start3A_422] : memref<4x80x128xf32, #tpu.memory_space<vmem>> -> memref<1x80x128xf32, #tpu.memory_space<vmem>>
    %dma_start3A_424 = tpu.memref_squeeze %dma_start3A_423 : memref<1x80x128xf32, #tpu.memory_space<vmem>> -> memref<80x128xf32, #tpu.memory_space<vmem>>
    %dma_start3A_425 = arith.constant 0 : i32
    %dma_start3A_426 = tpu.memref_slice %arg6[%dma_start3A_419, %dma_start3A_425] : memref<6x80xi32, #tpu.memory_space<vmem>> -> memref<1x80xi32, #tpu.memory_space<vmem>>
    %dma_start3A_427 = tpu.memref_squeeze %dma_start3A_426 : memref<1x80xi32, #tpu.memory_space<vmem>> -> memref<80xi32, #tpu.memory_space<vmem>>
    %dma_start3A_428 = arith.constant 0 : i32
    %dma_start3A_429 = arith.constant 0 : i32
    %dma_start3A_430 = tpu.memref_slice %arg3[%dma_start3A_428, %dma_start3A_429] : memref<10000x128xf32, #tpu.memory_space<hbm>> -> memref<10000x128xf32, #tpu.memory_space<hbm>>
    tpu.enqueue_indirect_dma source(%dma_start3A_430 : memref<10000x128xf32, #tpu.memory_space<hbm>>) target(%dma_start3A_424 : memref<80x128xf32, #tpu.memory_space<vmem>>) offsets(%dma_start3A_427 : memref<80xi32, #tpu.memory_space<vmem>>) semaphore(%arg10 : memref<!tpu.dma_semaphore, #tpu.memory_space<semaphore_mem>>)
    %dma_start3A_431 = arith.constant 1 : i32
    %dma_start3A_432 = arith.constant 1 : i32
    %dma_start3A_433 = arith.constant 0 : i32
    %dma_start3A_434 = arith.constant 0 : i32
    %dma_start3A_435 = tpu.memref_slice %arg8[%dma_start3A_432, %dma_start3A_433, %dma_start3A_434] : memref<4x80x128xf32, #tpu.memory_space<vmem>> -> memref<1x80x128xf32, #tpu.memory_space<vmem>>
    %dma_start3A_436 = tpu.memref_squeeze %dma_start3A_435 : memref<1x80x128xf32, #tpu.memory_space<vmem>> -> memref<80x128xf32, #tpu.memory_space<vmem>>
    %dma_start3A_437 = arith.constant 0 : i32
    %dma_start3A_438 = tpu.memref_slice %arg6[%dma_start3A_431, %dma_start3A_437] : memref<6x80xi32, #tpu.memory_space<vmem>> -> memref<1x80xi32, #tpu.memory_space<vmem>>
    %dma_start3A_439 = tpu.memref_squeeze %dma_start3A_438 : memref<1x80xi32, #tpu.memory_space<vmem>> -> memref<80xi32, #tpu.memory_space<vmem>>
    %dma_start3A_440 = arith.constant 0 : i32
    %dma_start3A_441 = arith.constant 0 : i32
    %dma_start3A_442 = tpu.memref_slice %arg3[%dma_start3A_440, %dma_start3A_441] : memref<10000x128xf32, #tpu.memory_space<hbm>> -> memref<10000x128xf32, #tpu.memory_space<hbm>>
    tpu.enqueue_indirect_dma source(%dma_start3A_442 : memref<10000x128xf32, #tpu.memory_space<hbm>>) target(%dma_start3A_436 : memref<80x128xf32, #tpu.memory_space<vmem>>) offsets(%dma_start3A_439 : memref<80xi32, #tpu.memory_space<vmem>>) semaphore(%arg10 : memref<!tpu.dma_semaphore, #tpu.memory_space<semaphore_mem>>)
    %dma_start3A_443 = arith.constant 2 : i32
    %dma_start3A_444 = arith.constant 2 : i32
    %dma_start3A_445 = arith.constant 0 : i32
    %dma_start3A_446 = arith.constant 0 : i32
    %dma_start3A_447 = tpu.memref_slice %arg8[%dma_start3A_444, %dma_start3A_445, %dma_start3A_446] : memref<4x80x128xf32, #tpu.memory_space<vmem>> -> memref<1x80x128xf32, #tpu.memory_space<vmem>>
    %dma_start3A_448 = tpu.memref_squeeze %dma_start3A_447 : memref<1x80x128xf32, #tpu.memory_space<vmem>> -> memref<80x128xf32, #tpu.memory_space<vmem>>
    %dma_start3A_449 = arith.constant 0 : i32
    %dma_start3A_450 = tpu.memref_slice %arg6[%dma_start3A_443, %dma_start3A_449] : memref<6x80xi32, #tpu.memory_space<vmem>> -> memref<1x80xi32, #tpu.memory_space<vmem>>
    %dma_start3A_451 = tpu.memref_squeeze %dma_start3A_450 : memref<1x80xi32, #tpu.memory_space<vmem>> -> memref<80xi32, #tpu.memory_space<vmem>>
    %dma_start3A_452 = arith.constant 0 : i32
    %dma_start3A_453 = arith.constant 0 : i32
    %dma_start3A_454 = tpu.memref_slice %arg3[%dma_start3A_452, %dma_start3A_453] : memref<10000x128xf32, #tpu.memory_space<hbm>> -> memref<10000x128xf32, #tpu.memory_space<hbm>>
    tpu.enqueue_indirect_dma source(%dma_start3A_454 : memref<10000x128xf32, #tpu.memory_space<hbm>>) target(%dma_start3A_448 : memref<80x128xf32, #tpu.memory_space<vmem>>) offsets(%dma_start3A_451 : memref<80xi32, #tpu.memory_space<vmem>>) semaphore(%arg10 : memref<!tpu.dma_semaphore, #tpu.memory_space<semaphore_mem>>)
    %scan3A = arith.constant 0 : i32
    %scan3A_455 = arith.constant 0 : i32
    %scan3A_456 = arith.constant 125 : i32
    %scan3A_457 = arith.addi %scan3A_455, %scan3A_456 : i32
    %scan3A_458 = arith.constant 1 : i32
    scf.for %scan3A_476 = %scan3A_455 to %scan3A_457 step %scan3A_458  : i32 {
      %rem3A = arith.constant 4 : i32
      %rem3A_477 = arith.remsi %scan3A_476, %rem3A : i32
      %dma_wait3A_478 = arith.constant 0 : i32
      %dma_wait3A_479 = arith.constant 0 : i32
      %dma_wait3A_480 = arith.constant 0 : i32
      %dma_wait3A_481 = tpu.memref_slice %arg8[%rem3A_477, %dma_wait3A_479, %dma_wait3A_480] : memref<4x80x128xf32, #tpu.memory_space<vmem>> -> memref<1x80x128xf32, #tpu.memory_space<vmem>>
      %dma_wait3A_482 = tpu.memref_squeeze %dma_wait3A_481 : memref<1x80x128xf32, #tpu.memory_space<vmem>> -> memref<80x128xf32, #tpu.memory_space<vmem>>
      %dma_wait3A_483 = arith.constant 0 : i32
      %dma_wait3A_484 = tpu.memref_slice %arg6[%dma_wait3A_478, %dma_wait3A_483] : memref<6x80xi32, #tpu.memory_space<vmem>> -> memref<1x80xi32, #tpu.memory_space<vmem>>
      %dma_wait3A_485 = tpu.memref_squeeze %dma_wait3A_484 : memref<1x80xi32, #tpu.memory_space<vmem>> -> memref<80xi32, #tpu.memory_space<vmem>>
      %dma_wait3A_486 = arith.constant 0 : i32
      %dma_wait3A_487 = arith.constant 0 : i32
      %dma_wait3A_488 = tpu.memref_slice %arg3[%dma_wait3A_486, %dma_wait3A_487] : memref<10000x128xf32, #tpu.memory_space<hbm>> -> memref<10000x128xf32, #tpu.memory_space<hbm>>
      tpu.wait_indirect_dma semaphore(%arg10 : memref<!tpu.dma_semaphore, #tpu.memory_space<semaphore_mem>>) src(%dma_wait3A_488 : memref<10000x128xf32, #tpu.memory_space<hbm>>) dst(%dma_wait3A_482 : memref<80x128xf32, #tpu.memory_space<vmem>>)
      %rem3A_489 = arith.constant 6 : i32
      %rem3A_490 = arith.remsi %scan3A_476, %rem3A_489 : i32
      %dma_start3A_491 = arith.constant 0 : i32
      %dma_start3A_492 = arith.constant 0 : i32
      %dma_start3A_493 = tpu.memref_slice %arg8[%rem3A_477, %dma_start3A_491, %dma_start3A_492] : memref<4x80x128xf32, #tpu.memory_space<vmem>> -> memref<1x80x128xf32, #tpu.memory_space<vmem>>
      %dma_start3A_494 = tpu.memref_squeeze %dma_start3A_493 : memref<1x80x128xf32, #tpu.memory_space<vmem>> -> memref<80x128xf32, #tpu.memory_space<vmem>>
      %dma_start3A_495 = arith.constant 0 : i32
      %dma_start3A_496 = tpu.memref_slice %arg7[%rem3A_490, %dma_start3A_495] : memref<6x80xi32, #tpu.memory_space<vmem>> -> memref<1x80xi32, #tpu.memory_space<vmem>>
      %dma_start3A_497 = tpu.memref_squeeze %dma_start3A_496 : memref<1x80xi32, #tpu.memory_space<vmem>> -> memref<80xi32, #tpu.memory_space<vmem>>
      %dma_start3A_498 = arith.constant 0 : i32
      %dma_start3A_499 = arith.constant 0 : i32
      %dma_start3A_500 = tpu.memref_slice %arg9[%dma_start3A_498, %dma_start3A_499] : memref<10000x128xf32, #tpu.memory_space<vmem_shared>> -> memref<10000x128xf32, #tpu.memory_space<vmem_shared>>
      tpu.enqueue_indirect_dma source(%dma_start3A_494 : memref<80x128xf32, #tpu.memory_space<vmem>>) target(%dma_start3A_500 : memref<10000x128xf32, #tpu.memory_space<vmem_shared>>) offsets(%dma_start3A_497 : memref<80xi32, #tpu.memory_space<vmem>>) semaphore(%arg11 : memref<!tpu.dma_semaphore, #tpu.memory_space<semaphore_mem>>) {add = true}
      %ge3A = arith.constant 1 : i32
      %ge3A_501 = arith.cmpi sge, %scan3A_476, %ge3A : i32
      %convert_element_type3A_502 = arith.extui %ge3A_501 : i1 to i32
      %cond3A_503 = arith.constant 0 : i32
      %cond3A_504 = arith.cmpi ne, %convert_element_type3A_502, %cond3A_503 : i32
      scf.if %cond3A_504 {
        %dma_wait3A_522 = arith.constant 0 : i32
        %dma_wait3A_523 = arith.constant 0 : i32
        %dma_wait3A_524 = arith.constant 0 : i32
        %dma_wait3A_525 = arith.constant 0 : i32
        %dma_wait3A_526 = tpu.memref_slice %arg8[%dma_wait3A_522, %dma_wait3A_524, %dma_wait3A_525] : memref<4x80x128xf32, #tpu.memory_space<vmem>> -> memref<1x80x128xf32, #tpu.memory_space<vmem>>
        %dma_wait3A_527 = tpu.memref_squeeze %dma_wait3A_526 : memref<1x80x128xf32, #tpu.memory_space<vmem>> -> memref<80x128xf32, #tpu.memory_space<vmem>>
        %dma_wait3A_528 = arith.constant 0 : i32
        %dma_wait3A_529 = tpu.memref_slice %arg7[%dma_wait3A_523, %dma_wait3A_528] : memref<6x80xi32, #tpu.memory_space<vmem>> -> memref<1x80xi32, #tpu.memory_space<vmem>>
        %dma_wait3A_530 = tpu.memref_squeeze %dma_wait3A_529 : memref<1x80xi32, #tpu.memory_space<vmem>> -> memref<80xi32, #tpu.memory_space<vmem>>
        %dma_wait3A_531 = arith.constant 0 : i32
        %dma_wait3A_532 = arith.constant 0 : i32
        %dma_wait3A_533 = tpu.memref_slice %arg9[%dma_wait3A_531, %dma_wait3A_532] : memref<10000x128xf32, #tpu.memory_space<vmem_shared>> -> memref<10000x128xf32, #tpu.memory_space<vmem_shared>>
        tpu.wait_indirect_dma semaphore(%arg11 : memref<!tpu.dma_semaphore, #tpu.memory_space<semaphore_mem>>) src(%dma_wait3A_527 : memref<80x128xf32, #tpu.memory_space<vmem>>) dst(%dma_wait3A_533 : memref<10000x128xf32, #tpu.memory_space<vmem_shared>>)
      } else {
      }
      %add3A = arith.constant 4 : i32
      %add3A_505 = arith.addi %scan3A_476, %add3A : i32
      %sub3A = arith.constant 1 : i32
      %sub3A_506 = arith.subi %add3A_505, %sub3A : i32
      %lt3A = arith.constant 125 : i32
      %lt3A_507 = arith.cmpi slt, %sub3A_506, %lt3A : i32
      %convert_element_type3A_508 = arith.extui %lt3A_507 : i1 to i32
      %cond3A_509 = arith.constant 0 : i32
      %cond3A_510 = arith.cmpi ne, %convert_element_type3A_508, %cond3A_509 : i32
      scf.if %cond3A_510 {
        %add3A_522 = arith.constant 4 : i32
        %add3A_523 = arith.addi %scan3A_476, %add3A_522 : i32
        %sub3A_524 = arith.constant 1 : i32
        %sub3A_525 = arith.subi %add3A_523, %sub3A_524 : i32
        %dma_wait3A_526 = arith.constant 0 : i32
        %dma_wait3A_527 = arith.constant 0 : i32
        %dma_wait3A_528 = arith.constant 0 : i32
        %dma_wait3A_529 = arith.constant 0 : i32
        %dma_wait3A_530 = tpu.memref_slice %arg6[%dma_wait3A_528, %dma_wait3A_529] : memref<6x80xi32, #tpu.memory_space<vmem>> -> memref<1x80xi32, #tpu.memory_space<vmem>>
        %dma_wait3A_531 = tpu.memref_squeeze %dma_wait3A_530 : memref<1x80xi32, #tpu.memory_space<vmem>> -> memref<80xi32, #tpu.memory_space<vmem>>
        %dma_wait3A_532 = arith.constant 0 : i32
        %dma_wait3A_533 = arith.constant 0 : i32
        %dma_wait3A_534 = tpu.memref_slice %arg2[%dma_wait3A_526, %arg0, %arg1, %dma_wait3A_532, %dma_wait3A_533] : memref<2x2x16x125x80xi32, #tpu.memory_space<hbm>> -> memref<1x1x1x125x80xi32, #tpu.memory_space<hbm>>
        %dma_wait3A_535 = tpu.memref_squeeze %dma_wait3A_534 : memref<1x1x1x125x80xi32, #tpu.memory_space<hbm>> -> memref<125x80xi32, #tpu.memory_space<hbm>>
        %dma_wait3A_536 = arith.constant 0 : i32
        %dma_wait3A_537 = tpu.memref_slice %dma_wait3A_535[%dma_wait3A_527, %dma_wait3A_536] : memref<125x80xi32, #tpu.memory_space<hbm>> -> memref<1x80xi32, #tpu.memory_space<hbm>>
        %dma_wait3A_538 = tpu.memref_squeeze %dma_wait3A_537 : memref<1x80xi32, #tpu.memory_space<hbm>> -> memref<80xi32, #tpu.memory_space<hbm>>
        %dma_wait3A_539 = arith.constant 0 : i32
        %dma_wait3A_540 = tpu.memref_slice %arg6[%dma_wait3A_528, %dma_wait3A_539] : memref<6x80xi32, #tpu.memory_space<vmem>> -> memref<1x80xi32, #tpu.memory_space<vmem>>
        %dma_wait3A_541 = tpu.memref_squeeze %dma_wait3A_540 : memref<1x80xi32, #tpu.memory_space<vmem>> -> memref<80xi32, #tpu.memory_space<vmem>>
        %dma_wait3A_542 = arith.constant 0 : i32
        %dma_wait3A_543 = arith.constant 0 : i32
        %dma_wait3A_544 = tpu.memref_slice %arg2[%dma_wait3A_526, %arg0, %arg1, %dma_wait3A_542, %dma_wait3A_543] : memref<2x2x16x125x80xi32, #tpu.memory_space<hbm>> -> memref<1x1x1x125x80xi32, #tpu.memory_space<hbm>>
        %dma_wait3A_545 = tpu.memref_squeeze %dma_wait3A_544 : memref<1x1x1x125x80xi32, #tpu.memory_space<hbm>> -> memref<125x80xi32, #tpu.memory_space<hbm>>
        %dma_wait3A_546 = arith.constant 0 : i32
        %dma_wait3A_547 = tpu.memref_slice %dma_wait3A_545[%dma_wait3A_527, %dma_wait3A_546] : memref<125x80xi32, #tpu.memory_space<hbm>> -> memref<1x80xi32, #tpu.memory_space<hbm>>
        %dma_wait3A_548 = tpu.memref_squeeze %dma_wait3A_547 : memref<1x80xi32, #tpu.memory_space<hbm>> -> memref<80xi32, #tpu.memory_space<hbm>>
        tpu.wait_dma2 semaphore(%arg12 : memref<!tpu.dma_semaphore, #tpu.memory_space<semaphore_mem>>) src(%dma_wait3A_548 : memref<80xi32, #tpu.memory_space<hbm>>) dst(%dma_wait3A_541 : memref<80xi32, #tpu.memory_space<vmem>>)
        %dma_wait3A_549 = arith.constant 0 : i32
        %dma_wait3A_550 = arith.constant 0 : i32
        %dma_wait3A_551 = arith.constant 0 : i32
        %dma_wait3A_552 = arith.constant 0 : i32
        %dma_wait3A_553 = tpu.memref_slice %arg6[%dma_wait3A_551, %dma_wait3A_552] : memref<6x80xi32, #tpu.memory_space<vmem>> -> memref<1x80xi32, #tpu.memory_space<vmem>>
        %dma_wait3A_554 = tpu.memref_squeeze %dma_wait3A_553 : memref<1x80xi32, #tpu.memory_space<vmem>> -> memref<80xi32, #tpu.memory_space<vmem>>
        %dma_wait3A_555 = arith.constant 0 : i32
        %dma_wait3A_556 = arith.constant 0 : i32
        %dma_wait3A_557 = tpu.memref_slice %arg2[%dma_wait3A_549, %arg0, %arg1, %dma_wait3A_555, %dma_wait3A_556] : memref<2x2x16x125x80xi32, #tpu.memory_space<hbm>> -> memref<1x1x1x125x80xi32, #tpu.memory_space<hbm>>
        %dma_wait3A_558 = tpu.memref_squeeze %dma_wait3A_557 : memref<1x1x1x125x80xi32, #tpu.memory_space<hbm>> -> memref<125x80xi32, #tpu.memory_space<hbm>>
        %dma_wait3A_559 = arith.constant 0 : i32
        %dma_wait3A_560 = tpu.memref_slice %dma_wait3A_558[%dma_wait3A_550, %dma_wait3A_559] : memref<125x80xi32, #tpu.memory_space<hbm>> -> memref<1x80xi32, #tpu.memory_space<hbm>>
        %dma_wait3A_561 = tpu.memref_squeeze %dma_wait3A_560 : memref<1x80xi32, #tpu.memory_space<hbm>> -> memref<80xi32, #tpu.memory_space<hbm>>
        %dma_wait3A_562 = arith.constant 0 : i32
        %dma_wait3A_563 = tpu.memref_slice %arg6[%dma_wait3A_551, %dma_wait3A_562] : memref<6x80xi32, #tpu.memory_space<vmem>> -> memref<1x80xi32, #tpu.memory_space<vmem>>
        %dma_wait3A_564 = tpu.memref_squeeze %dma_wait3A_563 : memref<1x80xi32, #tpu.memory_space<vmem>> -> memref<80xi32, #tpu.memory_space<vmem>>
        %dma_wait3A_565 = arith.constant 0 : i32
        %dma_wait3A_566 = arith.constant 0 : i32
        %dma_wait3A_567 = tpu.memref_slice %arg2[%dma_wait3A_549, %arg0, %arg1, %dma_wait3A_565, %dma_wait3A_566] : memref<2x2x16x125x80xi32, #tpu.memory_space<hbm>> -> memref<1x1x1x125x80xi32, #tpu.memory_space<hbm>>
        %dma_wait3A_568 = tpu.memref_squeeze %dma_wait3A_567 : memref<1x1x1x125x80xi32, #tpu.memory_space<hbm>> -> memref<125x80xi32, #tpu.memory_space<hbm>>
        %dma_wait3A_569 = arith.constant 0 : i32
        %dma_wait3A_570 = tpu.memref_slice %dma_wait3A_568[%dma_wait3A_550, %dma_wait3A_569] : memref<125x80xi32, #tpu.memory_space<hbm>> -> memref<1x80xi32, #tpu.memory_space<hbm>>
        %dma_wait3A_571 = tpu.memref_squeeze %dma_wait3A_570 : memref<1x80xi32, #tpu.memory_space<hbm>> -> memref<80xi32, #tpu.memory_space<hbm>>
        tpu.wait_dma2 semaphore(%arg12 : memref<!tpu.dma_semaphore, #tpu.memory_space<semaphore_mem>>) src(%dma_wait3A_571 : memref<80xi32, #tpu.memory_space<hbm>>) dst(%dma_wait3A_564 : memref<80xi32, #tpu.memory_space<vmem>>)
        %rem3A_572 = arith.constant 6 : i32
        %rem3A_573 = arith.remsi %sub3A_525, %rem3A_572 : i32
        %rem3A_574 = arith.constant 4 : i32
        %rem3A_575 = arith.remsi %sub3A_525, %rem3A_574 : i32
        %dma_start3A_576 = arith.constant 0 : i32
        %dma_start3A_577 = arith.constant 0 : i32
        %dma_start3A_578 = tpu.memref_slice %arg8[%rem3A_575, %dma_start3A_576, %dma_start3A_577] : memref<4x80x128xf32, #tpu.memory_space<vmem>> -> memref<1x80x128xf32, #tpu.memory_space<vmem>>
        %dma_start3A_579 = tpu.memref_squeeze %dma_start3A_578 : memref<1x80x128xf32, #tpu.memory_space<vmem>> -> memref<80x128xf32, #tpu.memory_space<vmem>>
        %dma_start3A_580 = arith.constant 0 : i32
        %dma_start3A_581 = tpu.memref_slice %arg6[%rem3A_573, %dma_start3A_580] : memref<6x80xi32, #tpu.memory_space<vmem>> -> memref<1x80xi32, #tpu.memory_space<vmem>>
        %dma_start3A_582 = tpu.memref_squeeze %dma_start3A_581 : memref<1x80xi32, #tpu.memory_space<vmem>> -> memref<80xi32, #tpu.memory_space<vmem>>
        %dma_start3A_583 = arith.constant 0 : i32
        %dma_start3A_584 = arith.constant 0 : i32
        %dma_start3A_585 = tpu.memref_slice %arg3[%dma_start3A_583, %dma_start3A_584] : memref<10000x128xf32, #tpu.memory_space<hbm>> -> memref<10000x128xf32, #tpu.memory_space<hbm>>
        tpu.enqueue_indirect_dma source(%dma_start3A_585 : memref<10000x128xf32, #tpu.memory_space<hbm>>) target(%dma_start3A_579 : memref<80x128xf32, #tpu.memory_space<vmem>>) offsets(%dma_start3A_582 : memref<80xi32, #tpu.memory_space<vmem>>) semaphore(%arg10 : memref<!tpu.dma_semaphore, #tpu.memory_space<semaphore_mem>>)
      } else {
      }
      %ge3A_511 = arith.constant 1 : i32
      %ge3A_512 = arith.cmpi sge, %scan3A_476, %ge3A_511 : i32
      %add3A_513 = arith.constant 6 : i32
      %add3A_514 = arith.addi %scan3A_476, %add3A_513 : i32
      %sub3A_515 = arith.constant 1 : i32
      %sub3A_516 = arith.subi %add3A_514, %sub3A_515 : i32
      %lt3A_517 = arith.constant 125 : i32
      %lt3A_518 = arith.cmpi slt, %sub3A_516, %lt3A_517 : i32
      %and3A = arith.andi %ge3A_512, %lt3A_518 : i1
      %convert_element_type3A_519 = arith.extui %and3A : i1 to i32
      %cond3A_520 = arith.constant 0 : i32
      %cond3A_521 = arith.cmpi ne, %convert_element_type3A_519, %cond3A_520 : i32
      scf.if %cond3A_521 {
        %add3A_522 = arith.constant 6 : i32
        %add3A_523 = arith.addi %scan3A_476, %add3A_522 : i32
        %sub3A_524 = arith.constant 1 : i32
        %sub3A_525 = arith.subi %add3A_523, %sub3A_524 : i32
        %rem3A_526 = arith.constant 6 : i32
        %rem3A_527 = arith.remsi %sub3A_525, %rem3A_526 : i32
        %dma_start3A_528 = arith.constant 0 : i32
        %dma_start3A_529 = arith.constant 0 : i32
        %dma_start3A_530 = tpu.memref_slice %arg6[%rem3A_527, %dma_start3A_529] : memref<6x80xi32, #tpu.memory_space<vmem>> -> memref<1x80xi32, #tpu.memory_space<vmem>>
        %dma_start3A_531 = tpu.memref_squeeze %dma_start3A_530 : memref<1x80xi32, #tpu.memory_space<vmem>> -> memref<80xi32, #tpu.memory_space<vmem>>
        %dma_start3A_532 = arith.constant 0 : i32
        %dma_start3A_533 = arith.constant 0 : i32
        %dma_start3A_534 = tpu.memref_slice %arg2[%dma_start3A_528, %arg0, %arg1, %dma_start3A_532, %dma_start3A_533] : memref<2x2x16x125x80xi32, #tpu.memory_space<hbm>> -> memref<1x1x1x125x80xi32, #tpu.memory_space<hbm>>
        %dma_start3A_535 = tpu.memref_squeeze %dma_start3A_534 : memref<1x1x1x125x80xi32, #tpu.memory_space<hbm>> -> memref<125x80xi32, #tpu.memory_space<hbm>>
        %dma_start3A_536 = arith.constant 0 : i32
        %dma_start3A_537 = tpu.memref_slice %dma_start3A_535[%sub3A_525, %dma_start3A_536] : memref<125x80xi32, #tpu.memory_space<hbm>> -> memref<1x80xi32, #tpu.memory_space<hbm>>
        %dma_start3A_538 = tpu.memref_squeeze %dma_start3A_537 : memref<1x80xi32, #tpu.memory_space<hbm>> -> memref<80xi32, #tpu.memory_space<hbm>>
        %dma_start3A_539 = arith.constant 0 : i32
        %dma_start3A_540 = tpu.memref_slice %arg6[%rem3A_527, %dma_start3A_539] : memref<6x80xi32, #tpu.memory_space<vmem>> -> memref<1x80xi32, #tpu.memory_space<vmem>>
        %dma_start3A_541 = tpu.memref_squeeze %dma_start3A_540 : memref<1x80xi32, #tpu.memory_space<vmem>> -> memref<80xi32, #tpu.memory_space<vmem>>
        %dma_start3A_542 = arith.constant 0 : i32
        %dma_start3A_543 = arith.constant 0 : i32
        %dma_start3A_544 = tpu.memref_slice %arg2[%dma_start3A_528, %arg0, %arg1, %dma_start3A_542, %dma_start3A_543] : memref<2x2x16x125x80xi32, #tpu.memory_space<hbm>> -> memref<1x1x1x125x80xi32, #tpu.memory_space<hbm>>
        %dma_start3A_545 = tpu.memref_squeeze %dma_start3A_544 : memref<1x1x1x125x80xi32, #tpu.memory_space<hbm>> -> memref<125x80xi32, #tpu.memory_space<hbm>>
        %dma_start3A_546 = arith.constant 0 : i32
        %dma_start3A_547 = tpu.memref_slice %dma_start3A_545[%sub3A_525, %dma_start3A_546] : memref<125x80xi32, #tpu.memory_space<hbm>> -> memref<1x80xi32, #tpu.memory_space<hbm>>
        %dma_start3A_548 = tpu.memref_squeeze %dma_start3A_547 : memref<1x80xi32, #tpu.memory_space<hbm>> -> memref<80xi32, #tpu.memory_space<hbm>>
        tpu.enqueue_dma source(%dma_start3A_548 : memref<80xi32, #tpu.memory_space<hbm>>) target(%dma_start3A_541 : memref<80xi32, #tpu.memory_space<vmem>>) target_semaphore(%arg12 : memref<!tpu.dma_semaphore, #tpu.memory_space<semaphore_mem>>)
        %dma_start3A_549 = arith.constant 1 : i32
        %dma_start3A_550 = arith.constant 0 : i32
        %dma_start3A_551 = tpu.memref_slice %arg7[%rem3A_527, %dma_start3A_550] : memref<6x80xi32, #tpu.memory_space<vmem>> -> memref<1x80xi32, #tpu.memory_space<vmem>>
        %dma_start3A_552 = tpu.memref_squeeze %dma_start3A_551 : memref<1x80xi32, #tpu.memory_space<vmem>> -> memref<80xi32, #tpu.memory_space<vmem>>
        %dma_start3A_553 = arith.constant 0 : i32
        %dma_start3A_554 = arith.constant 0 : i32
        %dma_start3A_555 = tpu.memref_slice %arg2[%dma_start3A_549, %arg0, %arg1, %dma_start3A_553, %dma_start3A_554] : memref<2x2x16x125x80xi32, #tpu.memory_space<hbm>> -> memref<1x1x1x125x80xi32, #tpu.memory_space<hbm>>
        %dma_start3A_556 = tpu.memref_squeeze %dma_start3A_555 : memref<1x1x1x125x80xi32, #tpu.memory_space<hbm>> -> memref<125x80xi32, #tpu.memory_space<hbm>>
        %dma_start3A_557 = arith.constant 0 : i32
        %dma_start3A_558 = tpu.memref_slice %dma_start3A_556[%sub3A_525, %dma_start3A_557] : memref<125x80xi32, #tpu.memory_space<hbm>> -> memref<1x80xi32, #tpu.memory_space<hbm>>
        %dma_start3A_559 = tpu.memref_squeeze %dma_start3A_558 : memref<1x80xi32, #tpu.memory_space<hbm>> -> memref<80xi32, #tpu.memory_space<hbm>>
        %dma_start3A_560 = arith.constant 0 : i32
        %dma_start3A_561 = tpu.memref_slice %arg7[%rem3A_527, %dma_start3A_560] : memref<6x80xi32, #tpu.memory_space<vmem>> -> memref<1x80xi32, #tpu.memory_space<vmem>>
        %dma_start3A_562 = tpu.memref_squeeze %dma_start3A_561 : memref<1x80xi32, #tpu.memory_space<vmem>> -> memref<80xi32, #tpu.memory_space<vmem>>
        %dma_start3A_563 = arith.constant 0 : i32
        %dma_start3A_564 = arith.constant 0 : i32
        %dma_start3A_565 = tpu.memref_slice %arg2[%dma_start3A_549, %arg0, %arg1, %dma_start3A_563, %dma_start3A_564] : memref<2x2x16x125x80xi32, #tpu.memory_space<hbm>> -> memref<1x1x1x125x80xi32, #tpu.memory_space<hbm>>
        %dma_start3A_566 = tpu.memref_squeeze %dma_start3A_565 : memref<1x1x1x125x80xi32, #tpu.memory_space<hbm>> -> memref<125x80xi32, #tpu.memory_space<hbm>>
        %dma_start3A_567 = arith.constant 0 : i32
        %dma_start3A_568 = tpu.memref_slice %dma_start3A_566[%sub3A_525, %dma_start3A_567] : memref<125x80xi32, #tpu.memory_space<hbm>> -> memref<1x80xi32, #tpu.memory_space<hbm>>
        %dma_start3A_569 = tpu.memref_squeeze %dma_start3A_568 : memref<1x80xi32, #tpu.memory_space<hbm>> -> memref<80xi32, #tpu.memory_space<hbm>>
        tpu.enqueue_dma source(%dma_start3A_569 : memref<80xi32, #tpu.memory_space<hbm>>) target(%dma_start3A_562 : memref<80xi32, #tpu.memory_space<vmem>>) target_semaphore(%arg12 : memref<!tpu.dma_semaphore, #tpu.memory_space<semaphore_mem>>)
      } else {
      }
    }
    %scan3A_459 = arith.constant 125 : i32
    %dma_wait3A_460 = arith.constant 0 : i32
    %dma_wait3A_461 = arith.constant 0 : i32
    %dma_wait3A_462 = arith.constant 0 : i32
    %dma_wait3A_463 = arith.constant 0 : i32
    %dma_wait3A_464 = tpu.memref_slice %arg8[%dma_wait3A_460, %dma_wait3A_462, %dma_wait3A_463] : memref<4x80x128xf32, #tpu.memory_space<vmem>> -> memref<1x80x128xf32, #tpu.memory_space<vmem>>
    %dma_wait3A_465 = tpu.memref_squeeze %dma_wait3A_464 : memref<1x80x128xf32, #tpu.memory_space<vmem>> -> memref<80x128xf32, #tpu.memory_space<vmem>>
    %dma_wait3A_466 = arith.constant 0 : i32
    %dma_wait3A_467 = tpu.memref_slice %arg7[%dma_wait3A_461, %dma_wait3A_466] : memref<6x80xi32, #tpu.memory_space<vmem>> -> memref<1x80xi32, #tpu.memory_space<vmem>>
    %dma_wait3A_468 = tpu.memref_squeeze %dma_wait3A_467 : memref<1x80xi32, #tpu.memory_space<vmem>> -> memref<80xi32, #tpu.memory_space<vmem>>
    %dma_wait3A_469 = arith.constant 0 : i32
    %dma_wait3A_470 = arith.constant 0 : i32
    %dma_wait3A_471 = tpu.memref_slice %arg9[%dma_wait3A_469, %dma_wait3A_470] : memref<10000x128xf32, #tpu.memory_space<vmem_shared>> -> memref<10000x128xf32, #tpu.memory_space<vmem_shared>>
    tpu.wait_indirect_dma semaphore(%arg11 : memref<!tpu.dma_semaphore, #tpu.memory_space<semaphore_mem>>) src(%dma_wait3A_465 : memref<80x128xf32, #tpu.memory_space<vmem>>) dst(%dma_wait3A_471 : memref<10000x128xf32, #tpu.memory_space<vmem_shared>>)
    %barrier3A_472 = arith.constant 0 : index
    tpu.barrier barrier_id(%barrier3A_472)
    %mul3A = arith.constant 625 : i32
    %mul3A_473 = arith.muli %arg1, %mul3A : i32
    %mul3A_474 = arith.constant 625 : i32
    %mul3A_475 = arith.muli %arg1, %mul3A_474 : i32
    "tpu.region"() ({
      %run_scoped3A = tpu.sem_alloc : memref<!tpu.dma_semaphore, #tpu.memory_space<semaphore_mem>>
      %dma_start3A_476 = arith.constant 0 : i32
      %dma_start3A_477 = tpu.memref_slice %arg5[%arg0, %mul3A_475, %dma_start3A_476] : memref<2x10000x128xf32, #tpu.memory_space<hbm>> -> memref<1x625x128xf32, #tpu.memory_space<hbm>>
      %dma_start3A_478 = tpu.memref_squeeze %dma_start3A_477 : memref<1x625x128xf32, #tpu.memory_space<hbm>> -> memref<625x128xf32, #tpu.memory_space<hbm>>
      %dma_start3A_479 = arith.constant 0 : i32
      %dma_start3A_480 = tpu.memref_slice %arg9[%mul3A_473, %dma_start3A_479] : memref<10000x128xf32, #tpu.memory_space<vmem_shared>> -> memref<625x128xf32, #tpu.memory_space<vmem_shared>>
      tpu.enqueue_dma source(%dma_start3A_480 : memref<625x128xf32, #tpu.memory_space<vmem_shared>>) target(%dma_start3A_478 : memref<625x128xf32, #tpu.memory_space<hbm>>) target_semaphore(%run_scoped3A : memref<!tpu.dma_semaphore, #tpu.memory_space<semaphore_mem>>)
      %dma_wait3A_481 = arith.constant 0 : i32
      %dma_wait3A_482 = tpu.memref_slice %arg5[%arg0, %mul3A_475, %dma_wait3A_481] : memref<2x10000x128xf32, #tpu.memory_space<hbm>> -> memref<1x625x128xf32, #tpu.memory_space<hbm>>
      %dma_wait3A_483 = tpu.memref_squeeze %dma_wait3A_482 : memref<1x625x128xf32, #tpu.memory_space<hbm>> -> memref<625x128xf32, #tpu.memory_space<hbm>>
      %dma_wait3A_484 = arith.constant 0 : i32
      %dma_wait3A_485 = tpu.memref_slice %arg9[%mul3A_473, %dma_wait3A_484] : memref<10000x128xf32, #tpu.memory_space<vmem_shared>> -> memref<625x128xf32, #tpu.memory_space<vmem_shared>>
      tpu.wait_dma2 semaphore(%run_scoped3A : memref<!tpu.dma_semaphore, #tpu.memory_space<semaphore_mem>>) src(%dma_wait3A_485 : memref<625x128xf32, #tpu.memory_space<vmem_shared>>) dst(%dma_wait3A_483 : memref<625x128xf32, #tpu.memory_space<hbm>>)
      tpu.yield
    }) : () -> ()
    return
  }
}

#map = affine_map<(d0, d1) -> (0, 0, 0, 0, 0)>
#map1 = affine_map<(d0, d1) -> (0, 0, 0)>
module attributes {stable_mosaic.version = 14 : i64} {
  func.func @_deg_kernel(%arg0: i32, %arg1: i32, %arg2: memref<2x2x16x125x80xi32, #tpu.memory_space<hbm>>, %arg3: memref<2x10000x8xf32, #tpu.memory_space<hbm>>, %arg4: memref<125x80xi32, #tpu.memory_space<vmem>>, %arg5: memref<80x8xf32, #tpu.memory_space<vmem>>, %arg6: memref<626x8xf32, #tpu.memory_space<vmem>>, %arg7: memref<10000x8xf32, #tpu.memory_space<vmem_shared>>, %arg8: memref<!tpu.dma_semaphore, #tpu.memory_space<semaphore_mem>>) attributes {dimension_semantics = [#tpu.dimension_semantics<core_parallel>, #tpu.dimension_semantics<subcore_parallel>], iteration_bounds = array<i64: 2, 16>, scalar_prefetch = 0 : i64, scratch_operands = 5 : i64, tpu.core_type = #tpu.core_type<sc_vector_subcore>, window_params = [{transform_indices = #map}, {transform_indices = #map1}]} {
    %broadcast_in_dim3A = arith.constant 1.000000e+00 : f32
    %broadcast_in_dim3A_0 = vector.broadcast %broadcast_in_dim3A : f32 to vector<2x8xf32>
    %broadcast_in_dim3A_1 = arith.constant 0.000000e+00 : f32
    %broadcast_in_dim3A_2 = vector.broadcast %broadcast_in_dim3A_1 : f32 to vector<2x8xf32>
    %scan3A = arith.constant 0 : i32
    %scan3A_3 = arith.constant 0 : i32
    %scan3A_4 = arith.constant 40 : i32
    %scan3A_5 = arith.addi %scan3A_3, %scan3A_4 : i32
    %scan3A_6 = arith.constant 1 : i32
    scf.for %scan3A_109 = %scan3A_3 to %scan3A_5 step %scan3A_6  : i32 {
      %mul3A_110 = arith.constant 2 : i32
      %mul3A_111 = arith.muli %mul3A_110, %scan3A_109 : i32
      %swap3A = arith.index_cast %mul3A_111 : i32 to index
      %swap3A_112 = arith.constant 0 : index
      %swap3A_113 = tpu.vector_load %arg5[%swap3A, %swap3A_112] {strides = array<i32>} : memref<80x8xf32, #tpu.memory_space<vmem>>, vector<2x8xf32>,
      %swap3A_114 = vector.shape_cast %swap3A_113 : vector<2x8xf32> to vector<2x8xf32>
      %swap3A_115 = vector.shape_cast %broadcast_in_dim3A_0 : vector<2x8xf32> to vector<2x8xf32>
      tpu.vector_store %arg5[%swap3A, %swap3A_112], %swap3A_115 {strides = array<i32>} : memref<80x8xf32, #tpu.memory_space<vmem>>, vector<2x8xf32>,
    }
    %scan3A_7 = arith.constant 40 : i32
    %scan3A_8 = arith.constant 0 : i32
    %scan3A_9 = arith.constant 0 : i32
    %scan3A_10 = arith.constant 313 : i32
    %scan3A_11 = arith.addi %scan3A_9, %scan3A_10 : i32
    %scan3A_12 = arith.constant 1 : i32
    scf.for %scan3A_109 = %scan3A_9 to %scan3A_11 step %scan3A_12  : i32 {
      %mul3A_110 = arith.constant 2 : i32
      %mul3A_111 = arith.muli %mul3A_110, %scan3A_109 : i32
      %swap3A = arith.index_cast %mul3A_111 : i32 to index
      %swap3A_112 = arith.constant 0 : index
      %swap3A_113 = tpu.vector_load %arg6[%swap3A, %swap3A_112] {strides = array<i32>} : memref<626x8xf32, #tpu.memory_space<vmem>>, vector<2x8xf32>,
      %swap3A_114 = vector.shape_cast %swap3A_113 : vector<2x8xf32> to vector<2x8xf32>
      %swap3A_115 = vector.shape_cast %broadcast_in_dim3A_2 : vector<2x8xf32> to vector<2x8xf32>
      tpu.vector_store %arg6[%swap3A, %swap3A_112], %swap3A_115 {strides = array<i32>} : memref<626x8xf32, #tpu.memory_space<vmem>>, vector<2x8xf32>,
    }
    %scan3A_13 = arith.constant 313 : i32
    %mul3A = arith.constant 625 : i32
    %mul3A_14 = arith.muli %arg1, %mul3A : i32
    "tpu.region"() ({
      %run_scoped3A_109 = tpu.sem_alloc : memref<!tpu.dma_semaphore, #tpu.memory_space<semaphore_mem>>
      %dma_start3A = arith.constant 0 : i32
      %dma_start3A_110 = arith.constant 0 : i32
      %dma_start3A_111 = tpu.memref_slice %arg6[%dma_start3A, %dma_start3A_110] : memref<626x8xf32, #tpu.memory_space<vmem>> -> memref<625x8xf32, #tpu.memory_space<vmem>>
      %dma_start3A_112 = arith.constant 0 : i32
      %dma_start3A_113 = tpu.memref_slice %arg7[%mul3A_14, %dma_start3A_112] : memref<10000x8xf32, #tpu.memory_space<vmem_shared>> -> memref<625x8xf32, #tpu.memory_space<vmem_shared>>
      %dma_start3A_114 = arith.constant 0 : i32
      %dma_start3A_115 = tpu.memref_slice %arg7[%mul3A_14, %dma_start3A_114] : memref<10000x8xf32, #tpu.memory_space<vmem_shared>> -> memref<625x8xf32, #tpu.memory_space<vmem_shared>>
      %dma_start3A_116 = arith.constant 0 : i32
      %dma_start3A_117 = arith.constant 0 : i32
      %dma_start3A_118 = tpu.memref_slice %arg6[%dma_start3A_116, %dma_start3A_117] : memref<626x8xf32, #tpu.memory_space<vmem>> -> memref<625x8xf32, #tpu.memory_space<vmem>>
      tpu.enqueue_dma source(%dma_start3A_118 : memref<625x8xf32, #tpu.memory_space<vmem>>) target(%dma_start3A_115 : memref<625x8xf32, #tpu.memory_space<vmem_shared>>) target_semaphore(%run_scoped3A_109 : memref<!tpu.dma_semaphore, #tpu.memory_space<semaphore_mem>>)
      %dma_wait3A_119 = arith.constant 0 : i32
      %dma_wait3A_120 = arith.constant 0 : i32
      %dma_wait3A_121 = tpu.memref_slice %arg6[%dma_wait3A_119, %dma_wait3A_120] : memref<626x8xf32, #tpu.memory_space<vmem>> -> memref<625x8xf32, #tpu.memory_space<vmem>>
      %dma_wait3A_122 = arith.constant 0 : i32
      %dma_wait3A_123 = tpu.memref_slice %arg7[%mul3A_14, %dma_wait3A_122] : memref<10000x8xf32, #tpu.memory_space<vmem_shared>> -> memref<625x8xf32, #tpu.memory_space<vmem_shared>>
      %dma_wait3A_124 = arith.constant 0 : i32
      %dma_wait3A_125 = tpu.memref_slice %arg7[%mul3A_14, %dma_wait3A_124] : memref<10000x8xf32, #tpu.memory_space<vmem_shared>> -> memref<625x8xf32, #tpu.memory_space<vmem_shared>>
      %dma_wait3A_126 = arith.constant 0 : i32
      %dma_wait3A_127 = arith.constant 0 : i32
      %dma_wait3A_128 = tpu.memref_slice %arg6[%dma_wait3A_126, %dma_wait3A_127] : memref<626x8xf32, #tpu.memory_space<vmem>> -> memref<625x8xf32, #tpu.memory_space<vmem>>
      tpu.wait_dma2 semaphore(%run_scoped3A_109 : memref<!tpu.dma_semaphore, #tpu.memory_space<semaphore_mem>>) src(%dma_wait3A_128 : memref<625x8xf32, #tpu.memory_space<vmem>>) dst(%dma_wait3A_125 : memref<625x8xf32, #tpu.memory_space<vmem_shared>>)
      tpu.yield
    }) : () -> ()
    %barrier3A = arith.constant 0 : index
    tpu.barrier barrier_id(%barrier3A)
    %run_scoped3A = arith.constant 1 : i32
    "tpu.region"() ({
      %run_scoped3A_109 = tpu.sem_alloc : memref<!tpu.dma_semaphore, #tpu.memory_space<semaphore_mem>>
      %dma_start3A = arith.constant 0 : i32
      %dma_start3A_110 = arith.constant 0 : i32
      %dma_start3A_111 = tpu.memref_slice %arg2[%run_scoped3A, %arg0, %arg1, %dma_start3A, %dma_start3A_110] : memref<2x2x16x125x80xi32, #tpu.memory_space<hbm>> -> memref<1x1x1x125x80xi32, #tpu.memory_space<hbm>>
      %dma_start3A_112 = tpu.memref_squeeze %dma_start3A_111 : memref<1x1x1x125x80xi32, #tpu.memory_space<hbm>> -> memref<125x80xi32, #tpu.memory_space<hbm>>
      %dma_start3A_113 = arith.constant 0 : i32
      %dma_start3A_114 = arith.constant 0 : i32
      %dma_start3A_115 = tpu.memref_slice %arg2[%run_scoped3A, %arg0, %arg1, %dma_start3A_113, %dma_start3A_114] : memref<2x2x16x125x80xi32, #tpu.memory_space<hbm>> -> memref<1x1x1x125x80xi32, #tpu.memory_space<hbm>>
      %dma_start3A_116 = tpu.memref_squeeze %dma_start3A_115 : memref<1x1x1x125x80xi32, #tpu.memory_space<hbm>> -> memref<125x80xi32, #tpu.memory_space<hbm>>
      tpu.enqueue_dma source(%dma_start3A_116 : memref<125x80xi32, #tpu.memory_space<hbm>>) target(%arg4 : memref<125x80xi32, #tpu.memory_space<vmem>>) target_semaphore(%run_scoped3A_109 : memref<!tpu.dma_semaphore, #tpu.memory_space<semaphore_mem>>)
      %dma_wait3A_117 = arith.constant 0 : i32
      %dma_wait3A_118 = arith.constant 0 : i32
      %dma_wait3A_119 = tpu.memref_slice %arg2[%run_scoped3A, %arg0, %arg1, %dma_wait3A_117, %dma_wait3A_118] : memref<2x2x16x125x80xi32, #tpu.memory_space<hbm>> -> memref<1x1x1x125x80xi32, #tpu.memory_space<hbm>>
      %dma_wait3A_120 = tpu.memref_squeeze %dma_wait3A_119 : memref<1x1x1x125x80xi32, #tpu.memory_space<hbm>> -> memref<125x80xi32, #tpu.memory_space<hbm>>
      %dma_wait3A_121 = arith.constant 0 : i32
      %dma_wait3A_122 = arith.constant 0 : i32
      %dma_wait3A_123 = tpu.memref_slice %arg2[%run_scoped3A, %arg0, %arg1, %dma_wait3A_121, %dma_wait3A_122] : memref<2x2x16x125x80xi32, #tpu.memory_space<hbm>> -> memref<1x1x1x125x80xi32, #tpu.memory_space<hbm>>
      %dma_wait3A_124 = tpu.memref_squeeze %dma_wait3A_123 : memref<1x1x1x125x80xi32, #tpu.memory_space<hbm>> -> memref<125x80xi32, #tpu.memory_space<hbm>>
      tpu.wait_dma2 semaphore(%run_scoped3A_109 : memref<!tpu.dma_semaphore, #tpu.memory_space<semaphore_mem>>) src(%dma_wait3A_124 : memref<125x80xi32, #tpu.memory_space<hbm>>) dst(%arg4 : memref<125x80xi32, #tpu.memory_space<vmem>>)
      tpu.yield
    }) : () -> ()
    %scan3A_15 = arith.constant 0 : i32
    %scan3A_16 = arith.constant 0 : i32
    %scan3A_17 = arith.constant 125 : i32
    %scan3A_18 = arith.addi %scan3A_16, %scan3A_17 : i32
    %scan3A_19 = arith.constant 1 : i32
    scf.for %scan3A_109 = %scan3A_16 to %scan3A_18 step %scan3A_19  : i32 {
      %dma_start3A = arith.constant 0 : i32
      %dma_start3A_110 = tpu.memref_slice %arg4[%scan3A_109, %dma_start3A] : memref<125x80xi32, #tpu.memory_space<vmem>> -> memref<1x80xi32, #tpu.memory_space<vmem>>
      %dma_start3A_111 = tpu.memref_squeeze %dma_start3A_110 : memref<1x80xi32, #tpu.memory_space<vmem>> -> memref<80xi32, #tpu.memory_space<vmem>>
      %dma_start3A_112 = arith.constant 0 : i32
      %dma_start3A_113 = arith.constant 0 : i32
      %dma_start3A_114 = tpu.memref_slice %arg7[%dma_start3A_112, %dma_start3A_113] : memref<10000x8xf32, #tpu.memory_space<vmem_shared>> -> memref<10000x8xf32, #tpu.memory_space<vmem_shared>>
      tpu.enqueue_indirect_dma source(%arg5 : memref<80x8xf32, #tpu.memory_space<vmem>>) target(%dma_start3A_114 : memref<10000x8xf32, #tpu.memory_space<vmem_shared>>) offsets(%dma_start3A_111 : memref<80xi32, #tpu.memory_space<vmem>>) semaphore(%arg8 : memref<!tpu.dma_semaphore, #tpu.memory_space<semaphore_mem>>) {add = true}
      %ge3A = arith.constant 12 : i32
      %ge3A_115 = arith.cmpi sge, %scan3A_109, %ge3A : i32
      %convert_element_type3A = arith.extui %ge3A_115 : i1 to i32
      %cond3A = arith.constant 0 : i32
      %cond3A_116 = arith.cmpi ne, %convert_element_type3A, %cond3A : i32
      scf.if %cond3A_116 {
        %dma_wait3A_117 = arith.constant 0 : i32
        %dma_wait3A_118 = arith.constant 0 : i32
        %dma_wait3A_119 = tpu.memref_slice %arg4[%dma_wait3A_117, %dma_wait3A_118] : memref<125x80xi32, #tpu.memory_space<vmem>> -> memref<1x80xi32, #tpu.memory_space<vmem>>
        %dma_wait3A_120 = tpu.memref_squeeze %dma_wait3A_119 : memref<1x80xi32, #tpu.memory_space<vmem>> -> memref<80xi32, #tpu.memory_space<vmem>>
        %dma_wait3A_121 = arith.constant 0 : i32
        %dma_wait3A_122 = arith.constant 0 : i32
        %dma_wait3A_123 = tpu.memref_slice %arg7[%dma_wait3A_121, %dma_wait3A_122] : memref<10000x8xf32, #tpu.memory_space<vmem_shared>> -> memref<10000x8xf32, #tpu.memory_space<vmem_shared>>
        tpu.wait_indirect_dma semaphore(%arg8 : memref<!tpu.dma_semaphore, #tpu.memory_space<semaphore_mem>>) src(%arg5 : memref<80x8xf32, #tpu.memory_space<vmem>>) dst(%dma_wait3A_123 : memref<10000x8xf32, #tpu.memory_space<vmem_shared>>)
      } else {
      }
    }
    %scan3A_20 = arith.constant 125 : i32
    %dma_wait3A = arith.constant 0 : i32
    %dma_wait3A_21 = arith.constant 0 : i32
    %dma_wait3A_22 = tpu.memref_slice %arg4[%dma_wait3A, %dma_wait3A_21] : memref<125x80xi32, #tpu.memory_space<vmem>> -> memref<1x80xi32, #tpu.memory_space<vmem>>
    %dma_wait3A_23 = tpu.memref_squeeze %dma_wait3A_22 : memref<1x80xi32, #tpu.memory_space<vmem>> -> memref<80xi32, #tpu.memory_space<vmem>>
    %dma_wait3A_24 = arith.constant 0 : i32
    %dma_wait3A_25 = arith.constant 0 : i32
    %dma_wait3A_26 = tpu.memref_slice %arg7[%dma_wait3A_24, %dma_wait3A_25] : memref<10000x8xf32, #tpu.memory_space<vmem_shared>> -> memref<10000x8xf32, #tpu.memory_space<vmem_shared>>
    tpu.wait_indirect_dma semaphore(%arg8 : memref<!tpu.dma_semaphore, #tpu.memory_space<semaphore_mem>>) src(%arg5 : memref<80x8xf32, #tpu.memory_space<vmem>>) dst(%dma_wait3A_26 : memref<10000x8xf32, #tpu.memory_space<vmem_shared>>)
    %dma_wait3A_27 = arith.constant 0 : i32
    %dma_wait3A_28 = arith.constant 0 : i32
    %dma_wait3A_29 = tpu.memref_slice %arg4[%dma_wait3A_27, %dma_wait3A_28] : memref<125x80xi32, #tpu.memory_space<vmem>> -> memref<1x80xi32, #tpu.memory_space<vmem>>
    %dma_wait3A_30 = tpu.memref_squeeze %dma_wait3A_29 : memref<1x80xi32, #tpu.memory_space<vmem>> -> memref<80xi32, #tpu.memory_space<vmem>>
    %dma_wait3A_31 = arith.constant 0 : i32
    %dma_wait3A_32 = arith.constant 0 : i32
    %dma_wait3A_33 = tpu.memref_slice %arg7[%dma_wait3A_31, %dma_wait3A_32] : memref<10000x8xf32, #tpu.memory_space<vmem_shared>> -> memref<10000x8xf32, #tpu.memory_space<vmem_shared>>
    tpu.wait_indirect_dma semaphore(%arg8 : memref<!tpu.dma_semaphore, #tpu.memory_space<semaphore_mem>>) src(%arg5 : memref<80x8xf32, #tpu.memory_space<vmem>>) dst(%dma_wait3A_33 : memref<10000x8xf32, #tpu.memory_space<vmem_shared>>)
    %dma_wait3A_34 = arith.constant 0 : i32
    %dma_wait3A_35 = arith.constant 0 : i32
    %dma_wait3A_36 = tpu.memref_slice %arg4[%dma_wait3A_34, %dma_wait3A_35] : memref<125x80xi32, #tpu.memory_space<vmem>> -> memref<1x80xi32, #tpu.memory_space<vmem>>
    %dma_wait3A_37 = tpu.memref_squeeze %dma_wait3A_36 : memref<1x80xi32, #tpu.memory_space<vmem>> -> memref<80xi32, #tpu.memory_space<vmem>>
    %dma_wait3A_38 = arith.constant 0 : i32
    %dma_wait3A_39 = arith.constant 0 : i32
    %dma_wait3A_40 = tpu.memref_slice %arg7[%dma_wait3A_38, %dma_wait3A_39] : memref<10000x8xf32, #tpu.memory_space<vmem_shared>> -> memref<10000x8xf32, #tpu.memory_space<vmem_shared>>
    tpu.wait_indirect_dma semaphore(%arg8 : memref<!tpu.dma_semaphore, #tpu.memory_space<semaphore_mem>>) src(%arg5 : memref<80x8xf32, #tpu.memory_space<vmem>>) dst(%dma_wait3A_40 : memref<10000x8xf32, #tpu.memory_space<vmem_shared>>)
    %dma_wait3A_41 = arith.constant 0 : i32
    %dma_wait3A_42 = arith.constant 0 : i32
    %dma_wait3A_43 = tpu.memref_slice %arg4[%dma_wait3A_41, %dma_wait3A_42] : memref<125x80xi32, #tpu.memory_space<vmem>> -> memref<1x80xi32, #tpu.memory_space<vmem>>
    %dma_wait3A_44 = tpu.memref_squeeze %dma_wait3A_43 : memref<1x80xi32, #tpu.memory_space<vmem>> -> memref<80xi32, #tpu.memory_space<vmem>>
    %dma_wait3A_45 = arith.constant 0 : i32
    %dma_wait3A_46 = arith.constant 0 : i32
    %dma_wait3A_47 = tpu.memref_slice %arg7[%dma_wait3A_45, %dma_wait3A_46] : memref<10000x8xf32, #tpu.memory_space<vmem_shared>> -> memref<10000x8xf32, #tpu.memory_space<vmem_shared>>
    tpu.wait_indirect_dma semaphore(%arg8 : memref<!tpu.dma_semaphore, #tpu.memory_space<semaphore_mem>>) src(%arg5 : memref<80x8xf32, #tpu.memory_space<vmem>>) dst(%dma_wait3A_47 : memref<10000x8xf32, #tpu.memory_space<vmem_shared>>)
    %dma_wait3A_48 = arith.constant 0 : i32
    %dma_wait3A_49 = arith.constant 0 : i32
    %dma_wait3A_50 = tpu.memref_slice %arg4[%dma_wait3A_48, %dma_wait3A_49] : memref<125x80xi32, #tpu.memory_space<vmem>> -> memref<1x80xi32, #tpu.memory_space<vmem>>
    %dma_wait3A_51 = tpu.memref_squeeze %dma_wait3A_50 : memref<1x80xi32, #tpu.memory_space<vmem>> -> memref<80xi32, #tpu.memory_space<vmem>>
    %dma_wait3A_52 = arith.constant 0 : i32
    %dma_wait3A_53 = arith.constant 0 : i32
    %dma_wait3A_54 = tpu.memref_slice %arg7[%dma_wait3A_52, %dma_wait3A_53] : memref<10000x8xf32, #tpu.memory_space<vmem_shared>> -> memref<10000x8xf32, #tpu.memory_space<vmem_shared>>
    tpu.wait_indirect_dma semaphore(%arg8 : memref<!tpu.dma_semaphore, #tpu.memory_space<semaphore_mem>>) src(%arg5 : memref<80x8xf32, #tpu.memory_space<vmem>>) dst(%dma_wait3A_54 : memref<10000x8xf32, #tpu.memory_space<vmem_shared>>)
    %dma_wait3A_55 = arith.constant 0 : i32
    %dma_wait3A_56 = arith.constant 0 : i32
    %dma_wait3A_57 = tpu.memref_slice %arg4[%dma_wait3A_55, %dma_wait3A_56] : memref<125x80xi32, #tpu.memory_space<vmem>> -> memref<1x80xi32, #tpu.memory_space<vmem>>
    %dma_wait3A_58 = tpu.memref_squeeze %dma_wait3A_57 : memref<1x80xi32, #tpu.memory_space<vmem>> -> memref<80xi32, #tpu.memory_space<vmem>>
    %dma_wait3A_59 = arith.constant 0 : i32
    %dma_wait3A_60 = arith.constant 0 : i32
    %dma_wait3A_61 = tpu.memref_slice %arg7[%dma_wait3A_59, %dma_wait3A_60] : memref<10000x8xf32, #tpu.memory_space<vmem_shared>> -> memref<10000x8xf32, #tpu.memory_space<vmem_shared>>
    tpu.wait_indirect_dma semaphore(%arg8 : memref<!tpu.dma_semaphore, #tpu.memory_space<semaphore_mem>>) src(%arg5 : memref<80x8xf32, #tpu.memory_space<vmem>>) dst(%dma_wait3A_61 : memref<10000x8xf32, #tpu.memory_space<vmem_shared>>)
    %dma_wait3A_62 = arith.constant 0 : i32
    %dma_wait3A_63 = arith.constant 0 : i32
    %dma_wait3A_64 = tpu.memref_slice %arg4[%dma_wait3A_62, %dma_wait3A_63] : memref<125x80xi32, #tpu.memory_space<vmem>> -> memref<1x80xi32, #tpu.memory_space<vmem>>
    %dma_wait3A_65 = tpu.memref_squeeze %dma_wait3A_64 : memref<1x80xi32, #tpu.memory_space<vmem>> -> memref<80xi32, #tpu.memory_space<vmem>>
    %dma_wait3A_66 = arith.constant 0 : i32
    %dma_wait3A_67 = arith.constant 0 : i32
    %dma_wait3A_68 = tpu.memref_slice %arg7[%dma_wait3A_66, %dma_wait3A_67] : memref<10000x8xf32, #tpu.memory_space<vmem_shared>> -> memref<10000x8xf32, #tpu.memory_space<vmem_shared>>
    tpu.wait_indirect_dma semaphore(%arg8 : memref<!tpu.dma_semaphore, #tpu.memory_space<semaphore_mem>>) src(%arg5 : memref<80x8xf32, #tpu.memory_space<vmem>>) dst(%dma_wait3A_68 : memref<10000x8xf32, #tpu.memory_space<vmem_shared>>)
    %dma_wait3A_69 = arith.constant 0 : i32
    %dma_wait3A_70 = arith.constant 0 : i32
    %dma_wait3A_71 = tpu.memref_slice %arg4[%dma_wait3A_69, %dma_wait3A_70] : memref<125x80xi32, #tpu.memory_space<vmem>> -> memref<1x80xi32, #tpu.memory_space<vmem>>
    %dma_wait3A_72 = tpu.memref_squeeze %dma_wait3A_71 : memref<1x80xi32, #tpu.memory_space<vmem>> -> memref<80xi32, #tpu.memory_space<vmem>>
    %dma_wait3A_73 = arith.constant 0 : i32
    %dma_wait3A_74 = arith.constant 0 : i32
    %dma_wait3A_75 = tpu.memref_slice %arg7[%dma_wait3A_73, %dma_wait3A_74] : memref<10000x8xf32, #tpu.memory_space<vmem_shared>> -> memref<10000x8xf32, #tpu.memory_space<vmem_shared>>
    tpu.wait_indirect_dma semaphore(%arg8 : memref<!tpu.dma_semaphore, #tpu.memory_space<semaphore_mem>>) src(%arg5 : memref<80x8xf32, #tpu.memory_space<vmem>>) dst(%dma_wait3A_75 : memref<10000x8xf32, #tpu.memory_space<vmem_shared>>)
    %dma_wait3A_76 = arith.constant 0 : i32
    %dma_wait3A_77 = arith.constant 0 : i32
    %dma_wait3A_78 = tpu.memref_slice %arg4[%dma_wait3A_76, %dma_wait3A_77] : memref<125x80xi32, #tpu.memory_space<vmem>> -> memref<1x80xi32, #tpu.memory_space<vmem>>
    %dma_wait3A_79 = tpu.memref_squeeze %dma_wait3A_78 : memref<1x80xi32, #tpu.memory_space<vmem>> -> memref<80xi32, #tpu.memory_space<vmem>>
    %dma_wait3A_80 = arith.constant 0 : i32
    %dma_wait3A_81 = arith.constant 0 : i32
    %dma_wait3A_82 = tpu.memref_slice %arg7[%dma_wait3A_80, %dma_wait3A_81] : memref<10000x8xf32, #tpu.memory_space<vmem_shared>> -> memref<10000x8xf32, #tpu.memory_space<vmem_shared>>
    tpu.wait_indirect_dma semaphore(%arg8 : memref<!tpu.dma_semaphore, #tpu.memory_space<semaphore_mem>>) src(%arg5 : memref<80x8xf32, #tpu.memory_space<vmem>>) dst(%dma_wait3A_82 : memref<10000x8xf32, #tpu.memory_space<vmem_shared>>)
    %dma_wait3A_83 = arith.constant 0 : i32
    %dma_wait3A_84 = arith.constant 0 : i32
    %dma_wait3A_85 = tpu.memref_slice %arg4[%dma_wait3A_83, %dma_wait3A_84] : memref<125x80xi32, #tpu.memory_space<vmem>> -> memref<1x80xi32, #tpu.memory_space<vmem>>
    %dma_wait3A_86 = tpu.memref_squeeze %dma_wait3A_85 : memref<1x80xi32, #tpu.memory_space<vmem>> -> memref<80xi32, #tpu.memory_space<vmem>>
    %dma_wait3A_87 = arith.constant 0 : i32
    %dma_wait3A_88 = arith.constant 0 : i32
    %dma_wait3A_89 = tpu.memref_slice %arg7[%dma_wait3A_87, %dma_wait3A_88] : memref<10000x8xf32, #tpu.memory_space<vmem_shared>> -> memref<10000x8xf32, #tpu.memory_space<vmem_shared>>
    tpu.wait_indirect_dma semaphore(%arg8 : memref<!tpu.dma_semaphore, #tpu.memory_space<semaphore_mem>>) src(%arg5 : memref<80x8xf32, #tpu.memory_space<vmem>>) dst(%dma_wait3A_89 : memref<10000x8xf32, #tpu.memory_space<vmem_shared>>)
    %dma_wait3A_90 = arith.constant 0 : i32
    %dma_wait3A_91 = arith.constant 0 : i32
    %dma_wait3A_92 = tpu.memref_slice %arg4[%dma_wait3A_90, %dma_wait3A_91] : memref<125x80xi32, #tpu.memory_space<vmem>> -> memref<1x80xi32, #tpu.memory_space<vmem>>
    %dma_wait3A_93 = tpu.memref_squeeze %dma_wait3A_92 : memref<1x80xi32, #tpu.memory_space<vmem>> -> memref<80xi32, #tpu.memory_space<vmem>>
    %dma_wait3A_94 = arith.constant 0 : i32
    %dma_wait3A_95 = arith.constant 0 : i32
    %dma_wait3A_96 = tpu.memref_slice %arg7[%dma_wait3A_94, %dma_wait3A_95] : memref<10000x8xf32, #tpu.memory_space<vmem_shared>> -> memref<10000x8xf32, #tpu.memory_space<vmem_shared>>
    tpu.wait_indirect_dma semaphore(%arg8 : memref<!tpu.dma_semaphore, #tpu.memory_space<semaphore_mem>>) src(%arg5 : memref<80x8xf32, #tpu.memory_space<vmem>>) dst(%dma_wait3A_96 : memref<10000x8xf32, #tpu.memory_space<vmem_shared>>)
    %dma_wait3A_97 = arith.constant 0 : i32
    %dma_wait3A_98 = arith.constant 0 : i32
    %dma_wait3A_99 = tpu.memref_slice %arg4[%dma_wait3A_97, %dma_wait3A_98] : memref<125x80xi32, #tpu.memory_space<vmem>> -> memref<1x80xi32, #tpu.memory_space<vmem>>
    %dma_wait3A_100 = tpu.memref_squeeze %dma_wait3A_99 : memref<1x80xi32, #tpu.memory_space<vmem>> -> memref<80xi32, #tpu.memory_space<vmem>>
    %dma_wait3A_101 = arith.constant 0 : i32
    %dma_wait3A_102 = arith.constant 0 : i32
    %dma_wait3A_103 = tpu.memref_slice %arg7[%dma_wait3A_101, %dma_wait3A_102] : memref<10000x8xf32, #tpu.memory_space<vmem_shared>> -> memref<10000x8xf32, #tpu.memory_space<vmem_shared>>
    tpu.wait_indirect_dma semaphore(%arg8 : memref<!tpu.dma_semaphore, #tpu.memory_space<semaphore_mem>>) src(%arg5 : memref<80x8xf32, #tpu.memory_space<vmem>>) dst(%dma_wait3A_103 : memref<10000x8xf32, #tpu.memory_space<vmem_shared>>)
    %barrier3A_104 = arith.constant 0 : index
    tpu.barrier barrier_id(%barrier3A_104)
    %mul3A_105 = arith.constant 625 : i32
    %mul3A_106 = arith.muli %arg1, %mul3A_105 : i32
    %mul3A_107 = arith.constant 625 : i32
    %mul3A_108 = arith.muli %arg1, %mul3A_107 : i32
    "tpu.region"() ({
      %run_scoped3A_109 = tpu.sem_alloc : memref<!tpu.dma_semaphore, #tpu.memory_space<semaphore_mem>>
      %dma_start3A = arith.constant 0 : i32
      %dma_start3A_110 = tpu.memref_slice %arg3[%arg0, %mul3A_108, %dma_start3A] : memref<2x10000x8xf32, #tpu.memory_space<hbm>> -> memref<1x625x8xf32, #tpu.memory_space<hbm>>
      %dma_start3A_111 = tpu.memref_squeeze %dma_start3A_110 : memref<1x625x8xf32, #tpu.memory_space<hbm>> -> memref<625x8xf32, #tpu.memory_space<hbm>>
      %dma_start3A_112 = arith.constant 0 : i32
      %dma_start3A_113 = tpu.memref_slice %arg7[%mul3A_106, %dma_start3A_112] : memref<10000x8xf32, #tpu.memory_space<vmem_shared>> -> memref<625x8xf32, #tpu.memory_space<vmem_shared>>
      tpu.enqueue_dma source(%dma_start3A_113 : memref<625x8xf32, #tpu.memory_space<vmem_shared>>) target(%dma_start3A_111 : memref<625x8xf32, #tpu.memory_space<hbm>>) target_semaphore(%run_scoped3A_109 : memref<!tpu.dma_semaphore, #tpu.memory_space<semaphore_mem>>)
      %dma_wait3A_114 = arith.constant 0 : i32
      %dma_wait3A_115 = tpu.memref_slice %arg3[%arg0, %mul3A_108, %dma_wait3A_114] : memref<2x10000x8xf32, #tpu.memory_space<hbm>> -> memref<1x625x8xf32, #tpu.memory_space<hbm>>
      %dma_wait3A_116 = tpu.memref_squeeze %dma_wait3A_115 : memref<1x625x8xf32, #tpu.memory_space<hbm>> -> memref<625x8xf32, #tpu.memory_space<hbm>>
      %dma_wait3A_117 = arith.constant 0 : i32
      %dma_wait3A_118 = tpu.memref_slice %arg7[%mul3A_106, %dma_wait3A_117] : memref<10000x8xf32, #tpu.memory_space<vmem_shared>> -> memref<625x8xf32, #tpu.memory_space<vmem_shared>>
      tpu.wait_dma2 semaphore(%run_scoped3A_109 : memref<!tpu.dma_semaphore, #tpu.memory_space<semaphore_mem>>) src(%dma_wait3A_118 : memref<625x8xf32, #tpu.memory_space<vmem_shared>>) dst(%dma_wait3A_116 : memref<625x8xf32, #tpu.memory_space<hbm>>)
      tpu.yield
    }) : () -> ()
    return
  }
}

module attributes {stable_mosaic.version = 14 : i64} {
  func.func @_scale_body(%arg0: i32, %arg1: memref<2000x128xf32, #tpu.memory_space<vmem>>, %arg2: memref<2x2000x8xf32, #tpu.memory_space<vmem>>, %arg3: memref<2000x128xf32, #tpu.memory_space<vmem>>) attributes {dimension_semantics = [#tpu.dimension_semantics<arbitrary>], iteration_bounds = array<i64: 5>, scalar_prefetch = 0 : i64, scratch_operands = 0 : i64, tpu.core_type = #tpu.core_type<tc>, window_params = [{transform_indices = @transform_0, window_bounds = array<i64: 2000, 128>}, {transform_indices = @transform_1, window_bounds = array<i64: 2, 2000, 8>}, {transform_indices = @transform_2, window_bounds = array<i64: 2000, 128>}]} {
    %get3A = arith.constant 0 : index
    %get3A_0 = arith.constant 0 : index
    %get3A_1 = arith.constant 0 : index
    %get3A_2 = vector.load %arg2[%get3A, %get3A_0, %get3A_1] : memref<2x2000x8xf32, #tpu.memory_space<vmem>>, vector<1x2000x8xf32>
    %get3A_3 = vector.shape_cast %get3A_2 : vector<1x2000x8xf32> to vector<2000x8xf32>
    %get3A_4 = arith.constant 1 : index
    %get3A_5 = arith.constant 0 : index
    %get3A_6 = arith.constant 0 : index
    %get3A_7 = vector.load %arg2[%get3A_4, %get3A_5, %get3A_6] : memref<2x2000x8xf32, #tpu.memory_space<vmem>>, vector<1x2000x8xf32>
    %get3A_8 = vector.shape_cast %get3A_7 : vector<1x2000x8xf32> to vector<2000x8xf32>
    %add3A = arith.addf %get3A_3, %get3A_8 : vector<2000x8xf32>
    %reduce_sum3A = arith.constant dense<0.000000e+00> : vector<2000xf32>
    %reduce_sum3A_9 = vector.multi_reduction <add>, %add3A, %reduce_sum3A [1] : vector<2000x8xf32> to vector<2000xf32>
    %mul3A = arith.constant 1.250000e-01 : f32
    %mul3A_10 = vector.broadcast %mul3A : f32 to vector<2000xf32>
    %mul3A_11 = arith.mulf %reduce_sum3A_9, %mul3A_10 : vector<2000xf32>
    %add3A_12 = arith.constant 1.000000e+00 : f32
    %add3A_13 = vector.broadcast %add3A_12 : f32 to vector<2000xf32>
    %add3A_14 = arith.addf %mul3A_11, %add3A_13 : vector<2000xf32>
    %rsqrt3A = math.rsqrt %add3A_14 : vector<2000xf32>
    %get3A_15 = arith.constant 0 : index
    %get3A_16 = arith.constant 0 : index
    %get3A_17 = vector.load %arg1[%get3A_15, %get3A_16] : memref<2000x128xf32, #tpu.memory_space<vmem>>, vector<2000x128xf32>
    %broadcast_in_dim3A = vector.shape_cast %rsqrt3A : vector<2000xf32> to vector<2000x1xf32>
    %mul3A_18 = vector.broadcast %broadcast_in_dim3A : vector<2000x1xf32> to vector<2000x128xf32>
    %mul3A_19 = arith.mulf %get3A_17, %mul3A_18 : vector<2000x128xf32>
    %swap3A = arith.constant 0 : index
    %swap3A_20 = arith.constant 0 : index
    %swap3A_21 = vector.load %arg3[%swap3A, %swap3A_20] : memref<2000x128xf32, #tpu.memory_space<vmem>>, vector<2000x128xf32>
    tpu.vector_store %arg3[%swap3A, %swap3A_20], %mul3A_19 {strides = array<i32>} : memref<2000x128xf32, #tpu.memory_space<vmem>>, vector<2000x128xf32>,
    return
  }
  func.func @transform_0(%arg0: i32) -> (i32, i32) {
    %c0_i32 = arith.constant 0 : i32
    %c0_i32_0 = arith.constant 0 : i32
    return %arg0, %c0_i32 : i32, i32
  }
  func.func @transform_1(%arg0: i32) -> (i32, i32, i32) {
    %c0_i32 = arith.constant 0 : i32
    %c0_i32_0 = arith.constant 0 : i32
    %c0_i32_1 = arith.constant 0 : i32
    return %c0_i32, %arg0, %c0_i32_0 : i32, i32, i32
  }
  func.func @transform_2(%arg0: i32) -> (i32, i32) {
    %c0_i32 = arith.constant 0 : i32
    %c0_i32_0 = arith.constant 0 : i32
    return %arg0, %c0_i32 : i32, i32
  }
}

module attributes {stable_mosaic.version = 14 : i64} {
  func.func @_matmul_body(%arg0: i32, %arg1: memref<2000x128xf32, #tpu.memory_space<vmem>>, %arg2: memref<128x128xf32, #tpu.memory_space<vmem>>, %arg3: memref<2000x128xf32, #tpu.memory_space<vmem>>) attributes {dimension_semantics = [#tpu.dimension_semantics<arbitrary>], iteration_bounds = array<i64: 5>, scalar_prefetch = 0 : i64, scratch_operands = 0 : i64, tpu.core_type = #tpu.core_type<tc>, window_params = [{transform_indices = @transform_0, window_bounds = array<i64: 2000, 128>}, {pipeline_mode = #tpu.pipeline_mode<synchronous>, transform_indices = @transform_1, window_bounds = array<i64: 128, 128>}, {transform_indices = @transform_2, window_bounds = array<i64: 2000, 128>}]} {
    %get3A = arith.constant 0 : index
    %get3A_0 = arith.constant 0 : index
    %get3A_1 = vector.load %arg1[%get3A, %get3A_0] : memref<2000x128xf32, #tpu.memory_space<vmem>>, vector<2000x128xf32>
    %get3A_2 = arith.constant 0 : index
    %get3A_3 = arith.constant 0 : index
    %get3A_4 = vector.load %arg2[%get3A_2, %get3A_3] : memref<128x128xf32, #tpu.memory_space<vmem>>, vector<128x128xf32>
    %dot_general3A = arith.constant dense<0.000000e+00> : vector<2000x128xf32>
    %dot_general3A_5 = tpu.matmul %get3A_1, %get3A_4, %dot_general3A {dimension_numbers = #tpu.dot_dimension_numbers<[1], [0], [0], [1], [0, 0, 1, 1], [], []>, transpose_lhs_hint = false} : vector<2000x128xf32>, vector<128x128xf32>, vector<2000x128xf32> -> vector<2000x128xf32>
    %swap3A = arith.constant 0 : index
    %swap3A_6 = arith.constant 0 : index
    %swap3A_7 = vector.load %arg3[%swap3A, %swap3A_6] : memref<2000x128xf32, #tpu.memory_space<vmem>>, vector<2000x128xf32>
    tpu.vector_store %arg3[%swap3A, %swap3A_6], %dot_general3A_5 {strides = array<i32>} : memref<2000x128xf32, #tpu.memory_space<vmem>>, vector<2000x128xf32>,
    return
  }
  func.func @transform_0(%arg0: i32) -> (i32, i32) {
    %c0_i32 = arith.constant 0 : i32
    %c0_i32_0 = arith.constant 0 : i32
    return %arg0, %c0_i32 : i32, i32
  }
  func.func @transform_1(%arg0: i32) -> (i32, i32) {
    %c0_i32 = arith.constant 0 : i32
    %c0_i32_0 = arith.constant 0 : i32
    %c0_i32_1 = arith.constant 0 : i32
    return %c0_i32, %c0_i32_0 : i32, i32
  }
  func.func @transform_2(%arg0: i32) -> (i32, i32) {
    %c0_i32 = arith.constant 0 : i32
    %c0_i32_0 = arith.constant 0 : i32
    return %arg0, %c0_i32 : i32, i32
  }
}

module attributes {stable_mosaic.version = 14 : i64} {
  func.func @_combine_body(%arg0: i32, %arg1: memref<2x2000x8xf32, #tpu.memory_space<vmem>>, %arg2: memref<2x2000x128xf32, #tpu.memory_space<vmem>>, %arg3: memref<1x128xf32, #tpu.memory_space<vmem>>, %arg4: memref<5x2000x128xf32, #tpu.memory_space<vmem>>) attributes {dimension_semantics = [#tpu.dimension_semantics<arbitrary>], iteration_bounds = array<i64: 5>, scalar_prefetch = 0 : i64, scratch_operands = 0 : i64, tpu.core_type = #tpu.core_type<tc>, window_params = [{transform_indices = @transform_0, window_bounds = array<i64: 2, 2000, 8>}, {transform_indices = @transform_1, window_bounds = array<i64: 2, 2000, 128>}, {pipeline_mode = #tpu.pipeline_mode<synchronous>, transform_indices = @transform_2, window_bounds = array<i64: 1, 128>}, {transform_indices = @transform_3, window_bounds = array<i64: 5, 2000, 128>}]} {
    %get3A = arith.constant 0 : index
    %get3A_0 = arith.constant 0 : index
    %get3A_1 = arith.constant 0 : index
    %get3A_2 = vector.load %arg1[%get3A, %get3A_0, %get3A_1] : memref<2x2000x8xf32, #tpu.memory_space<vmem>>, vector<1x2000x8xf32>
    %get3A_3 = vector.shape_cast %get3A_2 : vector<1x2000x8xf32> to vector<2000x8xf32>
    %get3A_4 = arith.constant 1 : index
    %get3A_5 = arith.constant 0 : index
    %get3A_6 = arith.constant 0 : index
    %get3A_7 = vector.load %arg1[%get3A_4, %get3A_5, %get3A_6] : memref<2x2000x8xf32, #tpu.memory_space<vmem>>, vector<1x2000x8xf32>
    %get3A_8 = vector.shape_cast %get3A_7 : vector<1x2000x8xf32> to vector<2000x8xf32>
    %add3A = arith.addf %get3A_3, %get3A_8 : vector<2000x8xf32>
    %reduce_sum3A = arith.constant dense<0.000000e+00> : vector<2000xf32>
    %reduce_sum3A_9 = vector.multi_reduction <add>, %add3A, %reduce_sum3A [1] : vector<2000x8xf32> to vector<2000xf32>
    %mul3A = arith.constant 1.250000e-01 : f32
    %mul3A_10 = vector.broadcast %mul3A : f32 to vector<2000xf32>
    %mul3A_11 = arith.mulf %reduce_sum3A_9, %mul3A_10 : vector<2000xf32>
    %add3A_12 = arith.constant 1.000000e+00 : f32
    %add3A_13 = vector.broadcast %add3A_12 : f32 to vector<2000xf32>
    %add3A_14 = arith.addf %mul3A_11, %add3A_13 : vector<2000xf32>
    %rsqrt3A = math.rsqrt %add3A_14 : vector<2000xf32>
    %get3A_15 = arith.constant 0 : index
    %get3A_16 = arith.constant 0 : index
    %get3A_17 = arith.constant 0 : index
    %get3A_18 = vector.load %arg2[%get3A_15, %get3A_16, %get3A_17] : memref<2x2000x128xf32, #tpu.memory_space<vmem>>, vector<1x2000x128xf32>
    %get3A_19 = vector.shape_cast %get3A_18 : vector<1x2000x128xf32> to vector<2000x128xf32>
    %get3A_20 = arith.constant 1 : index
    %get3A_21 = arith.constant 0 : index
    %get3A_22 = arith.constant 0 : index
    %get3A_23 = vector.load %arg2[%get3A_20, %get3A_21, %get3A_22] : memref<2x2000x128xf32, #tpu.memory_space<vmem>>, vector<1x2000x128xf32>
    %get3A_24 = vector.shape_cast %get3A_23 : vector<1x2000x128xf32> to vector<2000x128xf32>
    %add3A_25 = arith.addf %get3A_19, %get3A_24 : vector<2000x128xf32>
    %broadcast_in_dim3A = vector.shape_cast %rsqrt3A : vector<2000xf32> to vector<2000x1xf32>
    %mul3A_26 = vector.broadcast %broadcast_in_dim3A : vector<2000x1xf32> to vector<2000x128xf32>
    %mul3A_27 = arith.mulf %add3A_25, %mul3A_26 : vector<2000x128xf32>
    %get3A_28 = arith.constant 0 : index
    %get3A_29 = arith.constant 0 : index
    %get3A_30 = vector.load %arg3[%get3A_28, %get3A_29] : memref<1x128xf32, #tpu.memory_space<vmem>>, vector<1x128xf32>
    %get3A_31 = vector.shape_cast %get3A_30 : vector<1x128xf32> to vector<128xf32>
    %broadcast_in_dim3A_32 = vector.shape_cast %get3A_31 : vector<128xf32> to vector<1x128xf32>
    %add3A_33 = vector.broadcast %broadcast_in_dim3A_32 : vector<1x128xf32> to vector<2000x128xf32>
    %add3A_34 = arith.addf %mul3A_27, %add3A_33 : vector<2000x128xf32>
    %broadcast_in_dim3A_35 = vector.shape_cast %add3A_34 : vector<2000x128xf32> to vector<1x2000x128xf32>
    %broadcast_in_dim3A_36 = vector.shape_cast %broadcast_in_dim3A_35 : vector<1x2000x128xf32> to vector<1x2000x128xf32>
    %broadcast_in_dim3A_37 = vector.broadcast %broadcast_in_dim3A_36 : vector<1x2000x128xf32> to vector<5x2000x128xf32>
    %swap3A = arith.constant 0 : index
    %swap3A_38 = arith.constant 0 : index
    %swap3A_39 = arith.constant 0 : index
    %swap3A_40 = vector.load %arg4[%swap3A, %swap3A_38, %swap3A_39] : memref<5x2000x128xf32, #tpu.memory_space<vmem>>, vector<5x2000x128xf32>
    tpu.vector_store %arg4[%swap3A, %swap3A_38, %swap3A_39], %broadcast_in_dim3A_37 {strides = array<i32>} : memref<5x2000x128xf32, #tpu.memory_space<vmem>>, vector<5x2000x128xf32>,
    return
  }
  func.func @transform_0(%arg0: i32) -> (i32, i32, i32) {
    %c0_i32 = arith.constant 0 : i32
    %c0_i32_0 = arith.constant 0 : i32
    %c0_i32_1 = arith.constant 0 : i32
    return %c0_i32, %arg0, %c0_i32_0 : i32, i32, i32
  }
  func.func @transform_1(%arg0: i32) -> (i32, i32, i32) {
    %c0_i32 = arith.constant 0 : i32
    %c0_i32_0 = arith.constant 0 : i32
    %c0_i32_1 = arith.constant 0 : i32
    return %c0_i32, %arg0, %c0_i32_0 : i32, i32, i32
  }
  func.func @transform_2(%arg0: i32) -> (i32, i32) {
    %c0_i32 = arith.constant 0 : i32
    %c0_i32_0 = arith.constant 0 : i32
    %c0_i32_1 = arith.constant 0 : i32
    return %c0_i32, %c0_i32_0 : i32, i32
  }
  func.func @transform_3(%arg0: i32) -> (i32, i32, i32) {
    %c0_i32 = arith.constant 0 : i32
    %c0_i32_0 = arith.constant 0 : i32
    %c0_i32_1 = arith.constant 0 : i32
    return %c0_i32, %arg0, %c0_i32_0 : i32, i32, i32
  }
}

</mosaic_0001>

<sc_bundles>
// kernel: kernel.10.cloned.1.call-start
scs
__scs_entry_jumppad:
0x0: {  	(pc) =	sbr.rel $0x88, $3  }
0x1: {  	(tag) =	ssettag $0x0;
	lr =	simm.s32 $0x1  }
0x2: {  	[smem:$0x3F9D] =	sst lr;
	_ =	strace $0xD0000000  }
0x3: {  	_ = 	snop  }
0x4: {  	_ = 	snop  }
0x5: {  	_ = 	snop  }
0x6: {  	_ = 	snop  }
0x7: {  	_ = 	snop  }
__scs_overlays_trampoline_lowered:
0x8: {  	[smem:$0x3FAC] =	sst s0  }
0x9: {  	[smem:$0x3FAD] =	sst s1  }
0xa: {  	[smem:$0x3FAE] =	sst s2  }
0xb: {  	[smem:$0x3FAF] =	sst s3  }
0xc: {  	[smem:$0x3FB0] =	sst s4  }
0xd: {  	[smem:$0x3FB1] =	sst s5  }
0xe: {  	[smem:$0x3FB2] =	sst s6  }
0xf: {  	[smem:$0x3FB3] =	sst s7  }
0x10: {  	[smem:$0x3FB4] =	sst s8  }
0x11: {  	[smem:$0x3FB5] =	sst s9;
	s0 =	simm.s32 @!p0 $0x0  }
0x12: {  	s1 =	sld [smem:$0x3F9B];
	s0 =	simm.s32 @p0 $0x1  }
0x13: {  	[smem:$0x3FB6] =	sst s0;
	s0 =	simm.s32 @!p1 $0x0  }
0x14: {  	s2 =	sld [smem:$0x3F9A];
	s0 =	simm.s32 @p1 $0x1  }
0x15: {  	[smem:$0x3FB7] =	sst s0;
	s0 =	simm.s32 @!p2 $0x0  }
0x16: {  	s3 =	sld [smem:$0x3FDB];
	s0 =	simm.s32 @p2 $0x1  }
0x17: {  	s4 =	simm.s32 $0x1BF5;
	[smem:$0x3FB9] =	sst s0  }
0x18: {  	s0 =	sld [smem:$0x3F9C];
	_ =	swait.ge [sflag:s4], $0x0  }
0x19: {  	s7 =	sld [smem:$0x3F9D]  }
0x1a: {  	s8 =	sadd.s32 $0xFFFFE003, lr  }
0x1b: {  	s9 =	sadd.s32 $0xFFFFFEF7, lr;
	s5 =	simm.s32 $0xFFFFFFFF;
	p2 =	slt.u32 s8, $0xFFFFF086  }
0x1c: {  	p1 =	slt.u32 s9, $0xF7A;
	s5 =	simm.s32 @!p2 $0x0  }
0x1d: {  	s5 =	simm.s32 @p1 $0x1;
	p0 =	seq.s32 s7, s2  }
0x1e: {  	s7 =	smul.u32 @!p0 $0xF7A, s2;
	p2 =	seq.s32 @!p0 s5, $0x0  }
0x1f: {  	s9 =	smul.u32 $0xF7A, s1;
	s8 =	simm.s32 @!p0 $0x1BF5;
	p2 =	por !p2, p0  }
0x20: {  	[sflag:s8] =	ssyncset.s32 @!p0 $0xFFFFF086;
	s6 =	sadd.s32 @!p0 s3, s7;
	s7 =	simm.s32 @!p0 $0x108  }
0x21: {  	s3 =	sadd.s32 s3, s9;
	s6 =	sadd.s32 @!p0 $0x88, s6;
	s7 =	simm.s32 @p2 $0x1082  }
0x22: {  	[simem:s7], [sflag:s8] =	dma.local @!p0 [hbm:s6], $0xF7A  }
0x23: {  	s9 =	sor.u32 $0xD0000000, s2;
	s6 =	simm.s32 $0x108;
	_ =	swait.ge @!p0 [sflag:s8], $0x0  }
0x24: {  	s3 =	sadd.s32 $0x88, s3;
	s6 =	simm.s32 @!p1 $0x1082;
	[sflag:s4] =	ssyncset.s32 $0xFFFFF086  }
0x25: {  	[simem:s6], [sflag:s4] =	dma.local [hbm:s3], $0xF7A  }
0x26: {  	[smem:$0x3F9D] =	sst s1;
	(tag) =	ssettag s2;
	_ =	strace s9  }
0x27: {  	s1 =	sld [smem:$0x3FAD]  }
0x28: {  	s2 =	sld [smem:$0x3FAE]  }
0x29: {  	s4 =	sld [smem:$0x3FB0]  }
0x2a: {  	p0 =	seq.s32 s5, $0x0;
	s5 =	sld [smem:$0x3FB1]  }
0x2b: {  	s6 =	sld [smem:$0x3FB2]  }
0x2c: {  	s7 =	sld [smem:$0x3FB3]  }
0x2d: {  	s3 =	simm.s32 $0x108;
	s8 =	sld [smem:$0x3FB4]  }
0x2e: {  	s3 =	simm.s32 @!p0 $0x1082;
	s9 =	sld [smem:$0x3FB5]  }
0x2f: {  	lr =	sadd.s32 s0, s3;
	s0 =	sld [smem:$0x3FAC]  }
0x30: {  	s3 =	sld [smem:$0x3FAF]  }
0x31: {  	[smem:$0x3FB8] =	sst s10  }
0x32: {  	s10 =	sld [smem:$0x3FB6];
	_ =	sdelay $0x3  }
0x33: {  	p0 =	seq.s32 s10, $0x1;
	s10 =	sld [smem:$0x3FB8];
	_ =	sdelay $0x3  }
0x34: {  	[smem:$0x3FB8] =	sst s10  }
0x35: {  	s10 =	sld [smem:$0x3FB7];
	_ =	sdelay $0x3  }
0x36: {  	p1 =	seq.s32 s10, $0x1;
	s10 =	sld [smem:$0x3FB8];
	_ =	sdelay $0x3  }
0x37: {  	[smem:$0x3FB8] =	sst s10  }
0x38: {  	s10 =	sld [smem:$0x3FB9]  }
0x39: {  	_ = 	snop;
	(pc) =	sbr.ind lr, $3  }
0x3a: {  	_ = 	snop  }
0x3b: {  	_ = 	snop  }
0x3c: {  	p2 =	seq.s32 s10, $0x1;
	s10 =	sld [smem:$0x3FB8]  }
0x3d: {  	_ =	shalt  }
0x3e: {  	_ =	shalt  }
0x3f: {  	_ =	shalt  }
0x40: {  	_ =	shalt  }
0x41: {  	_ =	shalt  }
0x42: {  	_ =	shalt  }
0x43: {  	_ =	shalt  }
0x44: {  	_ =	shalt  }
0x45: {  	_ =	shalt  }
0x46: {  	_ =	shalt  }
0x47: {  	_ =	shalt  }
0x48: {  	_ =	shalt  }
0x49: {  	_ =	shalt  }
0x4a: {  	_ =	shalt  }
0x4b: {  	_ =	shalt  }
0x4c: {  	_ =	shalt  }
0x4d: {  	_ =	shalt  }
0x4e: {  	_ =	shalt  }
0x4f: {  	_ =	shalt  }
0x50: {  	_ =	shalt  }
0x51: {  	_ =	shalt  }
0x52: {  	_ =	shalt  }
0x53: {  	_ =	shalt  }
0x54: {  	_ =	shalt  }
0x55: {  	_ =	shalt  }
0x56: {  	_ =	shalt  }
0x57: {  	_ =	shalt  }
0x58: {  	_ =	shalt  }
0x59: {  	_ =	shalt  }
0x5a: {  	_ =	shalt  }
0x5b: {  	_ =	shalt  }
0x5c: {  	_ =	shalt  }
0x5d: {  	_ =	shalt  }
0x5e: {  	_ =	shalt  }
0x5f: {  	_ =	shalt  }
0x60: {  	_ =	shalt  }
0x61: {  	_ =	shalt  }
0x62: {  	_ =	shalt  }
0x63: {  	_ =	shalt  }
0x64: {  	_ =	shalt  }
0x65: {  	_ =	shalt  }
0x66: {  	_ =	shalt  }
0x67: {  	_ =	shalt  }
0x68: {  	_ =	shalt  }
0x69: {  	_ =	shalt  }
0x6a: {  	_ =	shalt  }
0x6b: {  	_ =	shalt  }
0x6c: {  	_ =	shalt  }
0x6d: {  	_ =	shalt  }
0x6e: {  	_ =	shalt  }
0x6f: {  	_ =	shalt  }
0x70: {  	_ =	shalt  }
0x71: {  	_ =	shalt  }
0x72: {  	_ =	shalt  }
0x73: {  	_ =	shalt  }
0x74: {  	_ =	shalt  }
0x75: {  	_ =	shalt  }
0x76: {  	_ =	shalt  }
0x77: {  	_ =	shalt  }
0x78: {  	_ =	shalt  }
0x79: {  	_ =	shalt  }
0x7a: {  	_ =	shalt  }
0x7b: {  	_ =	shalt  }
0x7c: {  	_ =	shalt  }
0x7d: {  	_ =	shalt  }
0x7e: {  	_ =	shalt  }
0x7f: {  	_ =	shalt  }
0x80: {  	_ =	shalt  }
0x81: {  	_ =	shalt  }
0x82: {  	_ =	shalt  }
0x83: {  	_ =	shalt  }
0x84: {  	_ =	shalt  }
0x85: {  	_ =	shalt  }
0x86: {  	_ =	shalt  }
0x87: {  	_ =	shalt  }
.Lfunc_end0:
.L_simem_size_0:
called_computation.1_lowered:
.L_overlay_start_0:
0x88: {  	s2 =	sld [smem:$0x3FD9]  }
0x89: {  	s3 =	sld [smem:$0x3FFE];
	_ =	sdelay $0x1  }
0x8a: {  	s1 =	srdreg.scid  }
0x8b: {  	s0 =	sand.u32 $0x1, s1  }
0x8c: {  	s17 =	sshll.u32 s0, $0xA;
	s2 =	sadd.s32 s3, s2  }
0x8d: {  	s2 =	sadd.s32 s2, s17  }
0x8e: {  	[smem:$0x3FC4] =	sst s2  }
0x8f: {  	_ = 	snop  }
0x90: {  	s2 =	sld [smem:$0x3FD0];
	(tm) =	ssettm $0x1  }
0x91: {  	s18 =	sld [smem:$0x3FFB];
	_ =	sdelay $0x3  }
0x92: {  	_ =	strace s18  }
0x93: {  	s3 =	sld [smem:$0x3FFC];
	_ =	sdelay $0x3  }
0x94: {  	_ =	strace s3  }
0x95: {  	s3 =	sld [smem:$0x3FFD];
	_ =	sdelay $0x3  }
0x96: {  	_ =	strace s3  }
0x97: {  	_ =	strace $0x8FFFFFFF  }
0x98: {  	s19 =	sld [smem:$0x3FDB];
	_ =	sdelay $0x1  }
0x99: {  	s4 =	simm.s32 $_scs_section_size  }
0x9a: {  	s5 =	simm.s32 $_size__tile_overlayer_lowered;
	s6 =	simm.s32 $_tile_overlayer_lowered  }
0x9b: {  	s22 =	simm.s32 $0x1BFF;
	s21 =	sshll.u32 s6, $0x1;
	s3 =	sadd.s32 s4, s19  }
0x9c: {  	s7 =	simm.s32 $0x0;
	s20 =	sshll.u32 s5, $0x1;
	s5 =	sadd.s32 s21, s3  }
0x9d: {  	[timem:s7], [sflag:s22] =	dma.local [hbm:s5], s20  }
0x9e: {  	_ =	swait.ge [sflag:s22], s20  }
0x9f: {  	s4 =	ssub.s32 $0x0, s20;
	[sflag:s22] =	ssyncset.done $0x0  }
0xa0: {  	[sflag:s22] =	ssyncadd.s32 s4;
	_ =	sdelay $0x1  }
0xa1: {  	s23 =	simm.s32 $0x1B8B  }
0xa2: {  	_ =	swait.ge [sflag:s23], $0x1  }
0xa3: {  	[sflag:s23] =	ssyncset.done $0x0  }
0xa4: {  	s25 =	simm.s32 $0x1B8E;
	s24 =	sld [smem:$0x3FFE];
	[sflag:s23] =	ssyncadd.s32 $0xFFFFFFFF  }
0xa5: {  	s26 =	simm.s32 $execute0_lowered;
	[smem:$0x3FD2] =	sst s25  }
0xa6: {  	s5 =	sshll.u32 s26, $0x1;
	_ =	strace $0x80000049;
	[dreg:$0x1] =	wrdreg $0xFFFFFFFF  }
0xa7: {  	s28 =	simm.s32 $_size_execute0_lowered;
	s3 =	sadd.s32 s3, s5;
	[dreg:$0x0] =	wrdreg $0x0  }
0xa8: {  	s5 =	sshll.u32 s28, $0x1;
	[dreg:$0x2] =	wrdreg s3  }
0xa9: {  	[dreg:$0x3] =	wrdreg s5  }
0xaa: {  	[dreg:$0x4] =	wrdreg $0xC0  }
0xab: {  	_ =	task [dreg:s7], $0x5FFFF  }
0xac: {  	[dreg:$0x1] =	wrdreg $0xFFFFFFFF  }
0xad: {  	[dreg:$0x0] =	wrdreg $0x60  }
0xae: {  	[dreg:$0x2] =	wrdreg s24  }
0xaf: {  	[dreg:$0x3] =	wrdreg s2  }
0xb0: {  	[dreg:$0x4] =	wrdreg $0xA3C00  }
0xb1: {  	[dreg:$0x5] =	wrdreg $0x9  }
0xb2: {  	_ =	task.clear_ibuf [dreg:s7], $0x6FFFF;
	_ =	strace $0x90000049  }
0xb3: {  	s29 =	simm.s32 $0x9;
	_ =	strace $0x8000004B  }
0xb4: {  	_ =	swait.ge [sflag:s29], $0x1  }
0xb5: {  	[sflag:s29] =	ssyncadd.s32 $0xFFFFFFFF  }
0xb6: {  	_ =	strace $0x9000004B  }
0xb7: {  	_ =	sfence  }
0xb8: {  	s30 =	sld [smem:$0x0];
	_ =	sdelay $0x2  }
0xb9: {  	s31 =	sshll.u32 s1, $0xD;
	s1 =	sshrl.u32 s1, $0x2  }
0xba: {  	s3 =	sand.u32 $0x4000, s31;
	s1 =	sadd.s32 s1, s30  }
0xbb: {  	s0 =	sor.u32 s3, s0;
	s1 =	sshll.u32 s1, $0x11  }
0xbc: {  	s0 =	sor.u32 s1, s0  }
0xbd: {  	s0 =	sadd.s32 $0x8F2B, s0  }
0xbe: {  	[sflag:s0] =	ssyncadd.remote.s32 $0x1  }
0xbf: {  	_ =	sfence.sel $0xFFFF  }
0xc0: {  	[dreg:$0x0] =	wrdreg $0xFFFFFFFF;
	(pc) =	sbr.abs _section_cstart, $3  }
0xc1: {  	[dreg:$0x1] =	wrdreg $0xFFFFFFFF  }
0xc2: {  	_ =	task.clear_ibuf [dreg:s7], $0x2FFFF;
	_ =	strace $0x9FFFFFFF  }
0xc3: {  	(tm) =	ssettm $0x7FFFFFFF  }
tec
execute0_lowered:
.L_overlay_start_1:
0x0: {  	(tag) =	ssettag $0x1  }
0x1: {  	s1 =	rddreg [dreg:$0x0]  }
0x2: {  	s0 =	srdreg.scid;
	s10 =	rddreg [dreg:$0x1]  }
0x3: {  	s12 =	stileid.u32;
	s2 =	rddreg [dreg:$0x2]  }
0x4: {  	s3 =	simm.s32 $0x0;
	s16 =	simm.s32 $0x4;
	s19 =	simm.s32 $0x50  }
0x5: {  	s23 =	simm.s32 $0xA0;
	s26 =	simm.s32 $0x1;
	s5 =	smul.u32 $0x2710, s12  }
0x6: {  	s28 =	simm.s32 $0x2;
	s29 =	simm.s32 $0x0;
	s7 =	smul.u32 $0x13880, s12  }
0x7: {  	s0 =	sand.u32 $0x1, s0;
	[smem:$0x7FF] =	sst s3;
	s8 =	smul.u32 $0x4E200, s12  }
0x8: {  	s4 =	smul.u32 $0x27100, s0;
	_ =	strace $0x8000004A;
	s6 =	ssub.s32 $0x2, s0  }
0x9: {  	s11 =	smul.u32 $0x138800, s0;
	p0 =	seq.s32 s0, $0x1;
	s30 =	sshrl.u32 s6, $0x1  }
0xa: {  	s31 =	sshrl.u32 s7, $0x3;
	s8 =	sshrl.u32 s8, $0x2;
	s14 =	sshll.u32 @!p0 s12, $0x6  }
0xb: {  	s4 =	sadd.s32 s5, s4;
	s11 =	sadd.s32 s7, s11;
	s0 =	sadd.s32 s8, s2  }
0xc: {  	s14 =	sor.u32 @!p0 $0x1C04, s14;
	s4 =	sshrl.u32 s4, $0x3;
	s11 =	sshrl.u32 s11, $0x3  }
0xd: {  	s13 =	sshrl.u32 @p0 s0, $0x3;
	s0 =	simm.s32 $0x3;
	s9 =	sadd.s32 s4, s1  }
0xe: {  	s4 =	sadd.s32 $0x15200, s1;
	s1 =	sadd.s32 $0x3C400, s1;
	s10 =	sadd.s32 s10, s11  }
.Ltmp0:
0xf: {  	[dreg:$0x4] =	wrdreg s1;
	s1 =	ssub.s32 s6, s30;
	(pc) =	sbr.rel .LBB2_1-.Ltmp0, $4  }
0x10: {  	s6 =	sadd.s32 s7, s2;
	s7 =	sadd.s32 s4, s31;
	s8 =	sadd.s32 $0x1800, s9  }
0x11: {  	s9 =	sadd.s32 $0xB440, s9;
	s11 =	smax.u32 s1, $0x1;
	s1 =	sshll.u32 @p0 s12, $0x6  }
0x12: {  	s15 =	sshrl.u32 @!p0 s6, $0x3;
	s18 =	sadd.s32 $0xA, s8;
	s20 =	sadd.s32 $0xA, s9  }
0x13: {  	s22 =	sadd.s32 $0x14, s8;
	s24 =	sadd.s32 $0x14, s9;
	s12 =	sor.u32 @p0 $0x1C04, s1  }
.LBB2_5:
0x14: {  	_ =	swait.ge [sflag:s28], $0x2800;
	s1 =	stileid.u32  }
0x15: {  	s5 =	sshrl.u32 s6, $0x3;
	s29 =	sadd.s32 $0x1, s29;
	[sflag:s28] =	ssyncset.done $0x0  }
0x16: {  	s1 =	sshll.u32 s1, $0x6;
	p1 =	sne.s32 s29, s11;
	[sflag:s28] =	ssyncadd.s32 $0xFFFFD800  }
.Ltmp1:
0x17: {  	s1 =	sor.u32 $0x1C04, s1;
	[bflag:$0x0] =	sbarrier.arrive $0xFFFF;
	(pc) =	sbr.rel @!p1 .LBB2_6-.Ltmp1, $4  }
0x18: {  	[hbm:s10], [sflag:s1] =	dma.local [spmem:s5], $0x2710  }
0x19: {  	_ =	swait.ge [sflag:s16], $0x2710  }
0x1a: {  	[sflag:s16] =	ssyncset.done $0x0  }
0x1b: {  	[sflag:s16] =	ssyncadd.s32 $0xFFFFD8F0  }
.LBB2_1:
0x1c: {  	s1 =	rddreg [dreg:$0x4]  }
0x1d: {  	[spmem:s13], [sflag:s12] =	dma.local @p0 [hbm:s1], $0x2710  }
0x1e: {  	[spmem:s15], [sflag:s14] =	dma.local @!p0 [hbm:s7], $0x2710  }
0x1f: {  	_ =	swait.ge [sflag:s16], $0x2710  }
0x20: {  	[sflag:s16] =	ssyncset.done $0x0  }
0x21: {  	[sflag:s16] =	ssyncadd.s32 $0xFFFFD8F0  }
0x22: {  	[bflag:$0x0] =	sbarrier.arrive $0xFFFF  }
0x23: {  	[tilespmem:s3], [sflag:$0x3] =	stream.linear.gather [hbm4b:s8+s3], $0x50, $0x38;
	[tilespmem:$0x1DC40] =	vst v63  }
0x24: {  	s5 =	simm.s32 $0x1E0  }
0x25: {  	[tilespmem:s5], [sflag:$0x3] =	stream.linear.gather [hbm4b:s9+s3], $0x50, $0x38;
	[tilespmem:$0x1DC40] =	vst v63  }
0x26: {  	_ = 	snop  }
0x27: {  	[tilespmem:s19], [sflag:$0x3] =	stream.linear.gather [hbm4b:s18+s3], $0x50, $0x38;
	[tilespmem:$0x1DC40] =	vst v63  }
0x28: {  	s17 =	simm.s32 $0x230  }
0x29: {  	[tilespmem:s17], [sflag:$0x3] =	stream.linear.gather [hbm4b:s20+s3], $0x50, $0x38;
	[tilespmem:$0x1DC40] =	vst v63  }
0x2a: {  	_ = 	snop  }
0x2b: {  	[tilespmem:s23], [sflag:$0x3] =	stream.linear.gather [hbm4b:s22+s3], $0x50, $0x38;
	[tilespmem:$0x1DC40] =	vst v63  }
0x2c: {  	s21 =	simm.s32 $0x280  }
0x2d: {  	[tilespmem:s21], [sflag:$0x3] =	stream.linear.gather [hbm4b:s24+s3], $0x50, $0x38;
	[tilespmem:$0x1DC40] =	vst v63  }
0x2e: {  	s25 =	sadd.s32 $0x1E, s8;
	s5 =	simm.s32 $0xF0  }
0x2f: {  	[tilespmem:s5], [sflag:$0x3] =	stream.linear.gather [hbm4b:s25+s3], $0x50, $0x38;
	[tilespmem:$0x1DC40] =	vst v63  }
0x30: {  	s17 =	simm.s32 $0x2D0;
	s5 =	sadd.s32 $0x1E, s9  }
0x31: {  	[tilespmem:s17], [sflag:$0x3] =	stream.linear.gather [hbm4b:s5+s3], $0x50, $0x38;
	[tilespmem:$0x1DC40] =	vst v63  }
0x32: {  	s21 =	sadd.s32 $0x28, s8;
	s25 =	simm.s32 $0x140  }
0x33: {  	[tilespmem:s25], [sflag:$0x3] =	stream.linear.gather [hbm4b:s21+s3], $0x50, $0x38;
	[tilespmem:$0x1DC40] =	vst v63  }
0x34: {  	s17 =	sadd.s32 $0x28, s9;
	s21 =	simm.s32 $0x320  }
0x35: {  	[tilespmem:s21], [sflag:$0x3] =	stream.linear.gather [hbm4b:s17+s3], $0x50, $0x38;
	[tilespmem:$0x1DC40] =	vst v63  }
0x36: {  	s30 =	sadd.s32 $0x32, s8;
	s25 =	simm.s32 $0x190  }
0x37: {  	[tilespmem:s25], [sflag:$0x3] =	stream.linear.gather [hbm4b:s30+s3], $0x50, $0x38;
	[tilespmem:$0x1DC40] =	vst v63  }
0x38: {  	s31 =	sadd.s32 $0x32, s9;
	s5 =	simm.s32 $0x370  }
0x39: {  	[tilespmem:s5], [sflag:$0x3] =	stream.linear.gather [hbm4b:s31+s3], $0x50, $0x38;
	[tilespmem:$0x1DC40] =	vst v63  }
0x3a: {  	_ =	swait.ge [sflag:s0], $0x50  }
0x3b: {  	[sflag:s0] =	ssyncset.done $0x0  }
0x3c: {  	[sflag:s0] =	ssyncadd.s32 $0xFFFFFFB0  }
0x3d: {  	_ =	swait.ge [sflag:s0], $0x50  }
0x3e: {  	[sflag:s0] =	ssyncset.done $0x0  }
0x3f: {  	[sflag:s0] =	ssyncadd.s32 $0xFFFFFFB0  }
0x40: {  	_ =	swait.ge [sflag:s0], $0x50  }
0x41: {  	[sflag:s0] =	ssyncset.done $0x0  }
0x42: {  	[sflag:s0] =	ssyncadd.s32 $0xFFFFFFB0  }
0x43: {  	_ =	swait.ge [sflag:s0], $0x50  }
0x44: {  	[sflag:s0] =	ssyncset.done $0x0  }
0x45: {  	[sflag:s0] =	ssyncadd.s32 $0xFFFFFFB0  }
0x46: {  	_ =	swait.ge [sflag:s0], $0x50  }
0x47: {  	[sflag:s0] =	ssyncset.done $0x0  }
0x48: {  	[sflag:s0] =	ssyncadd.s32 $0xFFFFFFB0  }
0x49: {  	_ =	swait.ge [sflag:s0], $0x50  }
0x4a: {  	[sflag:s0] =	ssyncset.done $0x0  }
0x4b: {  	s17 =	simm.s32 $0x3C0;
	[sflag:s0] =	ssyncadd.s32 $0xFFFFFFB0  }
0x4c: {  	[tilespmem:s17], [sflag:$0x1] =	stream.indirect.gather [hbm4b:s4+s19], $0x80, s3, s19, $0xb8;
	[tilespmem:$0x1DC40] =	vst v63  }
.Ltmp2:
0x4d: {  	_ = 	snop;
	(pc) =	sbr.rel .LBB2_2-.Ltmp2, $4  }
0x4e: {  	s21 =	simm.s32 $0x2BC0  }
0x4f: {  	[tilespmem:s21], [sflag:$0x1] =	stream.indirect.gather [hbm4b:s4+s19], $0x80, s19, s19, $0xb8;
	[tilespmem:$0x1DC40] =	vst v63  }
0x50: {  	s1 =	simm.s32 $0x0;
	s25 =	simm.s32 $0x53C0  }
0x51: {  	[tilespmem:s25], [sflag:$0x1] =	stream.indirect.gather [hbm4b:s4+s19], $0x80, s23, s19, $0xb8;
	[tilespmem:$0x1DC40] =	vst v63  }
.LBB2_4:
0x52: {  	s1 =	sadd.s32 $0x1, s1  }
0x53: {  	p1 =	sne.s32 s1, $0x7D  }
.Ltmp3:
0x54: {  	_ = 	snop;
	(pc) =	sbr.rel @!p1 .LBB2_5-.Ltmp3, $2  }
0x55: {  	_ =	sdelay $0x2  }
0x56: {  	s30 =	sadd.s32 $0xA, s30;
	s31 =	sadd.s32 $0xA, s31  }
.LBB2_2:
0x57: {  	s17 =	smul.u32 $0xAB, s1;
	_ =	sdelay $0x1  }
0x58: {  	s17 =	sshrl.u32 s17, $0xA  }
0x59: {  	s17 =	sand.u32 $0x3F, s17  }
0x5a: {  	s17 =	smul.u32 $0x6, s17;
	_ =	sdelay $0x1  }
0x5b: {  	s21 =	sand.u32 $0x3, s1;
	s17 =	ssub.s32 s1, s17  }
0x5c: {  	s21 =	smul.u32 $0xA000, s21;
	s17 =	sand.u32 $0xFF, s17  }
0x5d: {  	_ =	swait.ge [sflag:s26], $0x2800;
	p1 =	seq.s32 s1, $0x0;
	s17 =	smul.u32 $0x140, s17  }
0x5e: {  	[sflag:s26] =	ssyncset.done $0x0;
	p2 =	sgt.u32 @!p1 s1, $0x79  }
0x5f: {  	[sflag:s26] =	ssyncadd.s32 $0xFFFFD800;
	s21 =	sshrl.u32 s21, $0x2;
	s17 =	sshrl.u32 s17, $0x2  }
0x60: {  	p2 =	por p1, !p2;
	s21 =	sor.u32 $0x3C0, s21;
	s17 =	sadd.s32 $0x1E0, s17  }
0x61: {  	[spmem:s2] =	stream.indirect.scatter.add.f32 [tilespmem:s21], [sflag:$0x2], $0x80, s17, s19, $0xb8;
	[tilespmem:$0x1DC40] =	vst v63  }
.Ltmp4:
0x62: {  	_ = 	snop;
	(pc) =	sbr.rel @!p2 .LBB2_4-.Ltmp4, $4  }
0x63: {  	s17 =	simm.s32 @!p1 $0x2  }
0x64: {  	_ =	swait.ge @!p1 [sflag:s17], $0x2800  }
0x65: {  	[sflag:s17] =	ssyncset.done @!p1 $0x0  }
0x66: {  	[sflag:s17] =	ssyncadd.s32 @!p1 $0xFFFFD800  }
0x67: {  	s17 =	sadd.s32 $0x3, s1;
	s25 =	sadd.s32 $0xFFFFFFFF, s1  }
0x68: {  	s21 =	smul.u32 $0xAB, s17;
	p1 =	sgt.u32 s25, $0x76  }
0x69: {  	s25 =	sadd.s32 @!p1 $0x5, s1  }
0x6a: {  	s21 =	sshrl.u32 s21, $0xA;
	s5 =	smul.u32 @!p1 $0xAB, s25  }
0x6b: {  	_ =	swait.ge [sflag:s0], $0x50;
	s21 =	sand.u32 $0x3F, s21  }
0x6c: {  	[sflag:s0] =	ssyncset.done $0x0;
	s21 =	smul.u32 $0x6, s21;
	s5 =	sshrl.u32 @!p1 s5, $0xA  }
0x6d: {  	[sflag:s0] =	ssyncadd.s32 $0xFFFFFFB0;
	s5 =	sand.u32 @!p1 $0x3F, s5  }
0x6e: {  	s21 =	ssub.s32 s17, s21;
	s17 =	sand.u32 $0x3, s17;
	s5 =	smul.u32 @!p1 $0x6, s5  }
0x6f: {  	_ =	swait.ge [sflag:s0], $0x50;
	s21 =	sand.u32 $0xFF, s21;
	s17 =	smul.u32 $0xA000, s17  }
0x70: {  	[sflag:s0] =	ssyncset.done $0x0;
	s21 =	smul.u32 $0x140, s21;
	s5 =	ssub.s32 @!p1 s25, s5  }
0x71: {  	[sflag:s0] =	ssyncadd.s32 $0xFFFFFFB0;
	s17 =	sshrl.u32 s17, $0x2;
	s5 =	sand.u32 @!p1 $0xFF, s5  }
0x72: {  	s17 =	sor.u32 $0x3C0, s17;
	s21 =	sshrl.u32 s21, $0x2;
	s5 =	smul.u32 @!p1 $0x50, s5  }
0x73: {  	[tilespmem:s17], [sflag:$0x1] =	stream.indirect.gather [hbm4b:s4+s19], $0x80, s21, s19, $0xb8;
	[tilespmem:$0x1DC40] =	vst v63  }
.Ltmp5:
0x74: {  	_ = 	snop;
	(pc) =	sbr.rel .LBB2_4-.Ltmp5, $4  }
0x75: {  	s17 =	simm.s32 @!p1 $0x0  }
0x76: {  	[tilespmem:s5], [sflag:$0x3] =	stream.linear.gather @!p1 [hbm4b:s30+s17], $0x50, $0x38;
	[tilespmem:$0x1DC40] =	vst v63  }
0x77: {  	s5 =	sadd.s32 @!p1 $0x1E0, s5  }
0x78: {  	[tilespmem:s5], [sflag:$0x3] =	stream.linear.gather @!p1 [hbm4b:s31+s17], $0x50, $0x38;
	[tilespmem:$0x1DC40] =	vst v63  }
.LBB2_6:
0x79: {  	_ =	sfence.sel $0x180000  }
0x7a: {  	[bflag:$0x0] =	sbarrier.arrive $0xFFFF  }
0x7b: {  	_ =	strace $0x9000004A  }
0x7c: {  	s0 =	stileid.u32;
	[bflag:$0x2] =	sbarrier.arrive $0xFFFF  }
0x7d: {  	p0 =	sne.s32 s0, $0x0;
	s0 =	rddreg [dreg:$0x3]  }
0x7e: {  	s0 =	sadd.s32 @!p0 $0x100000, s0  }
0x7f: {  	[sflag:s0] =	ssyncadd.tile.s32 @!p0 $0x1;
	_ =	shalt  }
.Lfunc_end2:
_tile_overlayer_lowered:
.L_overlay_start_2:
0x80: {  	(tag) =	ssettag $0x2  }
0x81: {  	s0 =	rddreg [dreg:$0x0];
	s2 =	stileid.u32  }
0x82: {  	s1 =	rddreg [dreg:$0x1];
	p0 =	sne.s32 s2, $0x0  }
0x83: {  	s3 =	rddreg [dreg:$0x2];
	[bflag:$0x3] =	sbarrier.arrive $0xFFFF;
	s2 =	simm.s32 @!p0 $0x1C04  }
0x84: {  	[timem:s3], [sflag:s2] =	dma.local @!p0 [hbm:s0], s1  }
0x85: {  	s0 =	simm.s32 @!p0 $0x4  }
0x86: {  	_ =	swait.ge @!p0 [sflag:s0], s1  }
0x87: {  	s1 =	ssub.s32 @!p0 $0x0, s1;
	[sflag:s0] =	ssyncset.done @!p0 $0x0  }
0x88: {  	[sflag:s0] =	ssyncadd.s32 @!p0 s1  }
0x89: {  	[bflag:$0x3] =	sbarrier.arrive $0xFFFF  }
0x8a: {  	_ =	shalt  }

// kernel: kernel.7.cloned.1.call-start
scs
__scs_entry_jumppad:
0x0: {  	(pc) =	sbr.rel $0x88, $3  }
0x1: {  	(tag) =	ssettag $0x0;
	lr =	simm.s32 $0x1  }
0x2: {  	[smem:$0x3F9D] =	sst lr;
	_ =	strace $0xD0000000  }
0x3: {  	_ = 	snop  }
0x4: {  	_ = 	snop  }
0x5: {  	_ = 	snop  }
0x6: {  	_ = 	snop  }
0x7: {  	_ = 	snop  }
__scs_overlays_trampoline_lowered:
0x8: {  	[smem:$0x3FAC] =	sst s0  }
0x9: {  	[smem:$0x3FAD] =	sst s1  }
0xa: {  	[smem:$0x3FAE] =	sst s2  }
0xb: {  	[smem:$0x3FAF] =	sst s3  }
0xc: {  	[smem:$0x3FB0] =	sst s4  }
0xd: {  	[smem:$0x3FB1] =	sst s5  }
0xe: {  	[smem:$0x3FB2] =	sst s6  }
0xf: {  	[smem:$0x3FB3] =	sst s7  }
0x10: {  	[smem:$0x3FB4] =	sst s8  }
0x11: {  	[smem:$0x3FB5] =	sst s9;
	s0 =	simm.s32 @!p0 $0x0  }
0x12: {  	s1 =	sld [smem:$0x3F9B];
	s0 =	simm.s32 @p0 $0x1  }
0x13: {  	[smem:$0x3FB6] =	sst s0;
	s0 =	simm.s32 @!p1 $0x0  }
0x14: {  	s2 =	sld [smem:$0x3F9A];
	s0 =	simm.s32 @p1 $0x1  }
0x15: {  	[smem:$0x3FB7] =	sst s0;
	s0 =	simm.s32 @!p2 $0x0  }
0x16: {  	s3 =	sld [smem:$0x3FDB];
	s0 =	simm.s32 @p2 $0x1  }
0x17: {  	s4 =	simm.s32 $0x1BF5;
	[smem:$0x3FB9] =	sst s0  }
0x18: {  	s0 =	sld [smem:$0x3F9C];
	_ =	swait.ge [sflag:s4], $0x0  }
0x19: {  	s7 =	sld [smem:$0x3F9D]  }
0x1a: {  	s8 =	sadd.s32 $0xFFFFE003, lr  }
0x1b: {  	s9 =	sadd.s32 $0xFFFFFEF7, lr;
	s5 =	simm.s32 $0xFFFFFFFF;
	p2 =	slt.u32 s8, $0xFFFFF086  }
0x1c: {  	p1 =	slt.u32 s9, $0xF7A;
	s5 =	simm.s32 @!p2 $0x0  }
0x1d: {  	s5 =	simm.s32 @p1 $0x1;
	p0 =	seq.s32 s7, s2  }
0x1e: {  	s7 =	smul.u32 @!p0 $0xF7A, s2;
	p2 =	seq.s32 @!p0 s5, $0x0  }
0x1f: {  	s9 =	smul.u32 $0xF7A, s1;
	s8 =	simm.s32 @!p0 $0x1BF5;
	p2 =	por !p2, p0  }
0x20: {  	[sflag:s8] =	ssyncset.s32 @!p0 $0xFFFFF086;
	s6 =	sadd.s32 @!p0 s3, s7;
	s7 =	simm.s32 @!p0 $0x108  }
0x21: {  	s3 =	sadd.s32 s3, s9;
	s6 =	sadd.s32 @!p0 $0x88, s6;
	s7 =	simm.s32 @p2 $0x1082  }
0x22: {  	[simem:s7], [sflag:s8] =	dma.local @!p0 [hbm:s6], $0xF7A  }
0x23: {  	s9 =	sor.u32 $0xD0000000, s2;
	s6 =	simm.s32 $0x108;
	_ =	swait.ge @!p0 [sflag:s8], $0x0  }
0x24: {  	s3 =	sadd.s32 $0x88, s3;
	s6 =	simm.s32 @!p1 $0x1082;
	[sflag:s4] =	ssyncset.s32 $0xFFFFF086  }
0x25: {  	[simem:s6], [sflag:s4] =	dma.local [hbm:s3], $0xF7A  }
0x26: {  	[smem:$0x3F9D] =	sst s1;
	(tag) =	ssettag s2;
	_ =	strace s9  }
0x27: {  	s1 =	sld [smem:$0x3FAD]  }
0x28: {  	s2 =	sld [smem:$0x3FAE]  }
0x29: {  	s4 =	sld [smem:$0x3FB0]  }
0x2a: {  	p0 =	seq.s32 s5, $0x0;
	s5 =	sld [smem:$0x3FB1]  }
0x2b: {  	s6 =	sld [smem:$0x3FB2]  }
0x2c: {  	s7 =	sld [smem:$0x3FB3]  }
0x2d: {  	s3 =	simm.s32 $0x108;
	s8 =	sld [smem:$0x3FB4]  }
0x2e: {  	s3 =	simm.s32 @!p0 $0x1082;
	s9 =	sld [smem:$0x3FB5]  }
0x2f: {  	lr =	sadd.s32 s0, s3;
	s0 =	sld [smem:$0x3FAC]  }
0x30: {  	s3 =	sld [smem:$0x3FAF]  }
0x31: {  	[smem:$0x3FB8] =	sst s10  }
0x32: {  	s10 =	sld [smem:$0x3FB6];
	_ =	sdelay $0x3  }
0x33: {  	p0 =	seq.s32 s10, $0x1;
	s10 =	sld [smem:$0x3FB8];
	_ =	sdelay $0x3  }
0x34: {  	[smem:$0x3FB8] =	sst s10  }
0x35: {  	s10 =	sld [smem:$0x3FB7];
	_ =	sdelay $0x3  }
0x36: {  	p1 =	seq.s32 s10, $0x1;
	s10 =	sld [smem:$0x3FB8];
	_ =	sdelay $0x3  }
0x37: {  	[smem:$0x3FB8] =	sst s10  }
0x38: {  	s10 =	sld [smem:$0x3FB9]  }
0x39: {  	_ = 	snop;
	(pc) =	sbr.ind lr, $3  }
0x3a: {  	_ = 	snop  }
0x3b: {  	_ = 	snop  }
0x3c: {  	p2 =	seq.s32 s10, $0x1;
	s10 =	sld [smem:$0x3FB8]  }
0x3d: {  	_ =	shalt  }
0x3e: {  	_ =	shalt  }
0x3f: {  	_ =	shalt  }
0x40: {  	_ =	shalt  }
0x41: {  	_ =	shalt  }
0x42: {  	_ =	shalt  }
0x43: {  	_ =	shalt  }
0x44: {  	_ =	shalt  }
0x45: {  	_ =	shalt  }
0x46: {  	_ =	shalt  }
0x47: {  	_ =	shalt  }
0x48: {  	_ =	shalt  }
0x49: {  	_ =	shalt  }
0x4a: {  	_ =	shalt  }
0x4b: {  	_ =	shalt  }
0x4c: {  	_ =	shalt  }
0x4d: {  	_ =	shalt  }
0x4e: {  	_ =	shalt  }
0x4f: {  	_ =	shalt  }
0x50: {  	_ =	shalt  }
0x51: {  	_ =	shalt  }
0x52: {  	_ =	shalt  }
0x53: {  	_ =	shalt  }
0x54: {  	_ =	shalt  }
0x55: {  	_ =	shalt  }
0x56: {  	_ =	shalt  }
0x57: {  	_ =	shalt  }
0x58: {  	_ =	shalt  }
0x59: {  	_ =	shalt  }
0x5a: {  	_ =	shalt  }
0x5b: {  	_ =	shalt  }
0x5c: {  	_ =	shalt  }
0x5d: {  	_ =	shalt  }
0x5e: {  	_ =	shalt  }
0x5f: {  	_ =	shalt  }
0x60: {  	_ =	shalt  }
0x61: {  	_ =	shalt  }
0x62: {  	_ =	shalt  }
0x63: {  	_ =	shalt  }
0x64: {  	_ =	shalt  }
0x65: {  	_ =	shalt  }
0x66: {  	_ =	shalt  }
0x67: {  	_ =	shalt  }
0x68: {  	_ =	shalt  }
0x69: {  	_ =	shalt  }
0x6a: {  	_ =	shalt  }
0x6b: {  	_ =	shalt  }
0x6c: {  	_ =	shalt  }
0x6d: {  	_ =	shalt  }
0x6e: {  	_ =	shalt  }
0x6f: {  	_ =	shalt  }
0x70: {  	_ =	shalt  }
0x71: {  	_ =	shalt  }
0x72: {  	_ =	shalt  }
0x73: {  	_ =	shalt  }
0x74: {  	_ =	shalt  }
0x75: {  	_ =	shalt  }
0x76: {  	_ =	shalt  }
0x77: {  	_ =	shalt  }
0x78: {  	_ =	shalt  }
0x79: {  	_ =	shalt  }
0x7a: {  	_ =	shalt  }
0x7b: {  	_ =	shalt  }
0x7c: {  	_ =	shalt  }
0x7d: {  	_ =	shalt  }
0x7e: {  	_ =	shalt  }
0x7f: {  	_ =	shalt  }
0x80: {  	_ =	shalt  }
0x81: {  	_ =	shalt  }
0x82: {  	_ =	shalt  }
0x83: {  	_ =	shalt  }
0x84: {  	_ =	shalt  }
0x85: {  	_ =	shalt  }
0x86: {  	_ =	shalt  }
0x87: {  	_ =	shalt  }
.Lfunc_end0:
.L_simem_size_0:
called_computation_lowered:
.L_overlay_start_0:
0x88: {  	s2 =	sld [smem:$0x3FD9]  }
0x89: {  	s3 =	sld [smem:$0x3FFE];
	_ =	sdelay $0x1  }
0x8a: {  	s1 =	srdreg.scid  }
0x8b: {  	s0 =	sand.u32 $0x1, s1  }
0x8c: {  	s17 =	sshll.u32 s0, $0xA;
	s2 =	sadd.s32 s3, s2  }
0x8d: {  	s2 =	sadd.s32 s2, s17  }
0x8e: {  	[smem:$0x3FC4] =	sst s2  }
0x8f: {  	_ = 	snop  }
0x90: {  	s2 =	sld [smem:$0x3FD0];
	(tm) =	ssettm $0x1  }
0x91: {  	s18 =	sld [smem:$0x3FFB];
	_ =	sdelay $0x3  }
0x92: {  	_ =	strace s18  }
0x93: {  	s3 =	sld [smem:$0x3FFC];
	_ =	sdelay $0x3  }
0x94: {  	_ =	strace s3  }
0x95: {  	s3 =	sld [smem:$0x3FFD];
	_ =	sdelay $0x3  }
0x96: {  	_ =	strace s3  }
0x97: {  	_ =	strace $0x8FFFFFFF  }
0x98: {  	s19 =	sld [smem:$0x3FDB];
	_ =	sdelay $0x1  }
0x99: {  	s4 =	simm.s32 $_scs_section_size  }
0x9a: {  	s5 =	simm.s32 $_size__tile_overlayer_lowered;
	s6 =	simm.s32 $_tile_overlayer_lowered  }
0x9b: {  	s22 =	simm.s32 $0x1BFF;
	s21 =	sshll.u32 s6, $0x1;
	s3 =	sadd.s32 s4, s19  }
0x9c: {  	s7 =	simm.s32 $0x0;
	s20 =	sshll.u32 s5, $0x1;
	s5 =	sadd.s32 s21, s3  }
0x9d: {  	[timem:s7], [sflag:s22] =	dma.local [hbm:s5], s20  }
0x9e: {  	_ =	swait.ge [sflag:s22], s20  }
0x9f: {  	s4 =	ssub.s32 $0x0, s20;
	[sflag:s22] =	ssyncset.done $0x0  }
0xa0: {  	[sflag:s22] =	ssyncadd.s32 s4;
	_ =	sdelay $0x1  }
0xa1: {  	s23 =	simm.s32 $0x1B8B  }
0xa2: {  	_ =	swait.ge [sflag:s23], $0x1  }
0xa3: {  	[sflag:s23] =	ssyncset.done $0x0  }
0xa4: {  	s25 =	simm.s32 $0x1B8E;
	s24 =	sld [smem:$0x3FFE];
	[sflag:s23] =	ssyncadd.s32 $0xFFFFFFFF  }
0xa5: {  	s26 =	simm.s32 $execute0_lowered;
	[smem:$0x3FD2] =	sst s25  }
0xa6: {  	s5 =	sshll.u32 s26, $0x1;
	_ =	strace $0x80000046;
	[dreg:$0x1] =	wrdreg $0xFFFFFFFF  }
0xa7: {  	s28 =	simm.s32 $_size_execute0_lowered;
	s3 =	sadd.s32 s3, s5;
	[dreg:$0x0] =	wrdreg $0x0  }
0xa8: {  	s5 =	sshll.u32 s28, $0x1;
	[dreg:$0x2] =	wrdreg s3  }
0xa9: {  	[dreg:$0x3] =	wrdreg s5  }
0xaa: {  	[dreg:$0x4] =	wrdreg $0xC0  }
0xab: {  	_ =	task [dreg:s7], $0x5FFFF  }
0xac: {  	[dreg:$0x1] =	wrdreg $0xFFFFFFFF  }
0xad: {  	[dreg:$0x0] =	wrdreg $0x60  }
0xae: {  	[dreg:$0x2] =	wrdreg s24  }
0xaf: {  	[dreg:$0x3] =	wrdreg s2  }
0xb0: {  	[dreg:$0x4] =	wrdreg $0x3D200  }
0xb1: {  	[dreg:$0x5] =	wrdreg $0x9  }
0xb2: {  	_ =	task.clear_ibuf [dreg:s7], $0x6FFFF;
	_ =	strace $0x90000046  }
0xb3: {  	s29 =	simm.s32 $0x9;
	_ =	strace $0x80000048  }
0xb4: {  	_ =	swait.ge [sflag:s29], $0x1  }
0xb5: {  	[sflag:s29] =	ssyncadd.s32 $0xFFFFFFFF  }
0xb6: {  	_ =	strace $0x90000048  }
0xb7: {  	_ =	sfence  }
0xb8: {  	s30 =	sld [smem:$0x0];
	_ =	sdelay $0x2  }
0xb9: {  	s31 =	sshll.u32 s1, $0xD;
	s1 =	sshrl.u32 s1, $0x2  }
0xba: {  	s3 =	sand.u32 $0x4000, s31;
	s1 =	sadd.s32 s1, s30  }
0xbb: {  	s0 =	sor.u32 s3, s0;
	s1 =	sshll.u32 s1, $0x11  }
0xbc: {  	s0 =	sor.u32 s1, s0  }
0xbd: {  	s0 =	sadd.s32 $0x8F2B, s0  }
0xbe: {  	[sflag:s0] =	ssyncadd.remote.s32 $0x1  }
0xbf: {  	_ =	sfence.sel $0xFFFF  }
0xc0: {  	[dreg:$0x0] =	wrdreg $0xFFFFFFFF;
	(pc) =	sbr.abs _section_cstart, $3  }
0xc1: {  	[dreg:$0x1] =	wrdreg $0xFFFFFFFF  }
0xc2: {  	_ =	task.clear_ibuf [dreg:s7], $0x2FFFF;
	_ =	strace $0x9FFFFFFF  }
0xc3: {  	(tm) =	ssettm $0x7FFFFFFF  }
tec
execute0_lowered:
.L_overlay_start_1:
0x0: {  	(tag) =	ssettag $0x1  }
0x1: {  	s4 =	rddreg [dreg:$0x0];
	s1 =	srdreg.scid  }
0x2: {  	s0 =	stileid.u32;
	s6 =	rddreg [dreg:$0x1]  }
0x3: {  	s2 =	rddreg [dreg:$0x2];
	s3 =	simm.s32 $0x0;
	s7 =	smul.u32 $0x1388, s0  }
0x4: {  	s11 =	simm.s32 $0x2710;
	s5 =	sand.u32 $0x1, s1;
	s9 =	smul.u32 $0x2710, s0  }
0x5: {  	s12 =	simm.s32 $0x1;
	s1 =	rddreg [dreg:$0x3];
	s8 =	smul.u32 $0x27100, s5  }
0x6: {  	[smem:$0x7FF] =	sst s3;
	s13 =	sshll.u32 s0, $0x6;
	s10 =	smul.u32 $0x13880, s5  }
0x7: {  	_ =	strace $0x80000047;
	s5 =	ssub.s32 $0x2, s5;
	s13 =	sor.u32 $0x1C02, s13  }
0x8: {  	s29 =	sshrl.u32 s5, $0x1;
	s8 =	sadd.s32 s8, s9;
	s10 =	sadd.s32 s7, s10  }
0x9: {  	s9 =	ssub.s32 s5, s29;
	s8 =	sshrl.u32 s8, $0x3;
	s31 =	sshrl.u32 s10, $0x3  }
0xa: {  	s10 =	simm.s32 $0x50;
	s30 =	sadd.s32 s4, s8;
	s4 =	sadd.s32 s7, s2  }
0xb: {  	s6 =	sadd.s32 s6, s31;
	s7 =	smax.u32 s9, $0x1;
	s8 =	simm.s32 $0x2990  }
0xc: {  	v0 =	vimm.f32 $1.000000000e+00;
	v1 =	vimm.f32 $0.0e+00;
	s9 =	simm.s32 $0x2;
	s5 =	sadd.s32 $0xB440, s30;
	s14 =	sshrl.u32 s4, $0x3  }
.LBB2_1:
0xd: {  	s15 =	simm.s32 $0x0  }
.LBB2_2:
0xe: {  	p0 =	sne.s32 s15, $0x9C0  }
.Ltmp0:
0xf: {  	_ = 	snop;
	(pc) =	sbr.rel @p0 .LBB2_2-.Ltmp0, $4  }
0x10: {  	_ = 	snop  }
0x11: {  	s16 =	sshra.s32 s15, $0x2  }
0x12: {  	[tilespmem:s16+$0x2710] =	vst.msk $0xff, v0  }
0x13: {  	s15 =	sadd.s32 $0x40, s15;
	[tilespmem:s16+$0x2718] =	vst.msk $0xff, v0  }
0x14: {  	s15 =	simm.s32 $0x40;
	s16 =	simm.s32 $0x0  }
.LBB2_4:
0x15: {  	p0 =	sne.s32 s15, $0x4E00;
	[tilespmem:s16+$0x2990] =	vst.msk $0xff, v1;
	s17 =	smov.u32 s15;
	s15 =	sadd.s32 $0x40, s15  }
.Ltmp1:
0x16: {  	[tilespmem:s16+$0x2998] =	vst.msk $0xff, v1;
	(pc) =	sbr.rel @p0 .LBB2_4-.Ltmp1, $2  }
0x17: {  	_ =	sdelay $0x2  }
0x18: {  	s16 =	sshra.s32 s17, $0x2  }
0x19: {  	[tilespmem:s16+$0x2990] =	vst.msk $0xff, v1  }
0x1a: {  	[tilespmem:s16+$0x2998] =	vst.msk $0xff, v1  }
0x1b: {  	[spmem:s4] =	stream.linear.scatter [tilespmem:s8], [sflag:$0x2], $0x1388, $0x38;
	[tilespmem:$0x50A8] =	vst v63  }
0x1c: {  	_ =	swait.ge [sflag:s9], $0x1388  }
0x1d: {  	[sflag:s9] =	ssyncset.done $0x0  }
0x1e: {  	[sflag:s9] =	ssyncadd.s32 $0xFFFFEC78  }
0x1f: {  	s15 =	simm.s32 $0x0;
	[bflag:$0x0] =	sbarrier.arrive $0xFFFF  }
0x20: {  	[tilespmem:s15], [sflag:$0x2] =	stream.linear.gather [hbm4b:s5+s15], $0x2710, $0x38;
	[tilespmem:$0x50A8] =	vst v63  }
0x21: {  	_ =	swait.ge [sflag:s9], $0x2710  }
0x22: {  	p0 =	por $0x1, $0x1;
	[sflag:s9] =	ssyncset.done $0x0  }
0x23: {  	s17 =	simm.s32 @!p0 $0x1;
	[sflag:s9] =	ssyncadd.s32 $0xFFFFD8F0  }
0x24: {  	[spmem:s2] =	stream.indirect.scatter.add.f32 [tilespmem:s11], [sflag:$0x1], $0x8, s15, s10, $0xb8;
	[tilespmem:$0x50A8] =	vst v63  }
0x25: {  	_ =	swait.ge @!p0 [sflag:s17], $0x280  }
0x26: {  	s16 =	simm.s32 $0x1;
	[sflag:s17] =	ssyncset.done @!p0 $0x0  }
.LBB2_6:
0x27: {  	[sflag:s17] =	ssyncadd.s32 @!p0 $0xFFFFFD80  }
0x28: {  	s15 =	sadd.s32 $0x50, s15;
	s17 =	smov.u32 s16;
	s16 =	sadd.s32 $0x1, s16  }
0x29: {  	p1 =	sne.s32 s16, $0x7D  }
0x2a: {  	[spmem:s2] =	stream.indirect.scatter.add.f32 [tilespmem:s11], [sflag:$0x1], $0x8, s15, s10, $0xb8;
	[tilespmem:$0x50A8] =	vst v63  }
.Ltmp2:
0x2b: {  	_ = 	snop;
	(pc) =	sbr.rel @p1 .LBB2_6-.Ltmp2, $4  }
0x2c: {  	p0 =	slt.u32 s17, $0xC  }
0x2d: {  	s17 =	simm.s32 @!p0 $0x1  }
0x2e: {  	_ =	swait.ge @!p0 [sflag:s17], $0x280  }
0x2f: {  	[sflag:s17] =	ssyncset.done @!p0 $0x0  }
0x30: {  	[sflag:s17] =	ssyncadd.s32 @!p0 $0xFFFFFD80  }
0x31: {  	_ =	swait.ge [sflag:s12], $0x280  }
0x32: {  	[sflag:s12] =	ssyncset.done $0x0  }
0x33: {  	[sflag:s12] =	ssyncadd.s32 $0xFFFFFD80  }
0x34: {  	_ =	swait.ge [sflag:s12], $0x280  }
0x35: {  	[sflag:s12] =	ssyncset.done $0x0  }
0x36: {  	[sflag:s12] =	ssyncadd.s32 $0xFFFFFD80  }
0x37: {  	_ =	swait.ge [sflag:s12], $0x280  }
0x38: {  	[sflag:s12] =	ssyncset.done $0x0  }
0x39: {  	[sflag:s12] =	ssyncadd.s32 $0xFFFFFD80  }
0x3a: {  	_ =	swait.ge [sflag:s12], $0x280  }
0x3b: {  	[sflag:s12] =	ssyncset.done $0x0  }
0x3c: {  	[sflag:s12] =	ssyncadd.s32 $0xFFFFFD80  }
0x3d: {  	_ =	swait.ge [sflag:s12], $0x280  }
0x3e: {  	[sflag:s12] =	ssyncset.done $0x0  }
0x3f: {  	[sflag:s12] =	ssyncadd.s32 $0xFFFFFD80  }
0x40: {  	_ =	swait.ge [sflag:s12], $0x280  }
0x41: {  	[sflag:s12] =	ssyncset.done $0x0  }
0x42: {  	[sflag:s12] =	ssyncadd.s32 $0xFFFFFD80  }
0x43: {  	_ =	swait.ge [sflag:s12], $0x280  }
0x44: {  	[sflag:s12] =	ssyncset.done $0x0  }
0x45: {  	[sflag:s12] =	ssyncadd.s32 $0xFFFFFD80  }
0x46: {  	_ =	swait.ge [sflag:s12], $0x280  }
0x47: {  	[sflag:s12] =	ssyncset.done $0x0  }
0x48: {  	[sflag:s12] =	ssyncadd.s32 $0xFFFFFD80  }
0x49: {  	_ =	swait.ge [sflag:s12], $0x280  }
0x4a: {  	[sflag:s12] =	ssyncset.done $0x0  }
0x4b: {  	[sflag:s12] =	ssyncadd.s32 $0xFFFFFD80  }
0x4c: {  	_ =	swait.ge [sflag:s12], $0x280  }
0x4d: {  	[sflag:s12] =	ssyncset.done $0x0  }
0x4e: {  	[sflag:s12] =	ssyncadd.s32 $0xFFFFFD80  }
0x4f: {  	_ =	swait.ge [sflag:s12], $0x280  }
0x50: {  	[sflag:s12] =	ssyncset.done $0x0  }
0x51: {  	[sflag:s12] =	ssyncadd.s32 $0xFFFFFD80  }
0x52: {  	_ =	swait.ge [sflag:s12], $0x280  }
0x53: {  	s3 =	sadd.s32 $0x1, s3;
	[sflag:s12] =	ssyncset.done $0x0  }
0x54: {  	p0 =	sne.s32 s3, s7;
	[sflag:s12] =	ssyncadd.s32 $0xFFFFFD80  }
.Ltmp3:
0x55: {  	[bflag:$0x0] =	sbarrier.arrive $0xFFFF;
	(pc) =	sbr.rel @p0 .LBB2_1-.Ltmp3, $4  }
0x56: {  	[hbm:s6], [sflag:s13] =	dma.local [spmem:s14], $0x271  }
0x57: {  	_ =	swait.ge [sflag:s9], $0x271  }
0x58: {  	[sflag:s9] =	ssyncset.done $0x0  }
0x59: {  	[sflag:s9] =	ssyncadd.s32 $0xFFFFFD8F  }
0x5a: {  	_ =	sfence.sel $0x180000  }
0x5b: {  	[bflag:$0x0] =	sbarrier.arrive $0xFFFF  }
0x5c: {  	p0 =	sne.s32 s0, $0x0;
	_ =	strace $0x90000047  }
0x5d: {  	s0 =	sadd.s32 @!p0 $0x100000, s1;
	[bflag:$0x2] =	sbarrier.arrive $0xFFFF  }
0x5e: {  	[sflag:s0] =	ssyncadd.tile.s32 @!p0 $0x1;
	_ =	shalt  }
.Lfunc_end2:
_tile_overlayer_lowered:
.L_overlay_start_2:
0x5f: {  	(tag) =	ssettag $0x2  }
0x60: {  	s0 =	rddreg [dreg:$0x0];
	s2 =	stileid.u32  }
0x61: {  	s1 =	rddreg [dreg:$0x1];
	p0 =	sne.s32 s2, $0x0  }
0x62: {  	s3 =	rddreg [dreg:$0x2];
	[bflag:$0x3] =	sbarrier.arrive $0xFFFF;
	s2 =	simm.s32 @!p0 $0x1C02  }
0x63: {  	[timem:s3], [sflag:s2] =	dma.local @!p0 [hbm:s0], s1  }
0x64: {  	s0 =	simm.s32 @!p0 $0x2  }
0x65: {  	_ =	swait.ge @!p0 [sflag:s0], s1  }
0x66: {  	s1 =	ssub.s32 @!p0 $0x0, s1;
	[sflag:s0] =	ssyncset.done @!p0 $0x0  }
0x67: {  	[sflag:s0] =	ssyncadd.s32 @!p0 s1  }
0x68: {  	[bflag:$0x3] =	sbarrier.arrive $0xFFFF  }
0x69: {  	_ =	shalt  }

</sc_bundles>
